<compile_context>
chip_gen: v7x
topology: tpu7x:2x2x1
jax: 0.10.2.dev20260603
libtpu: 0.0.44.dev20260713+nightly
codegen_flags: <defaults>
</compile_context>

<pallas_src>
import jax
import jax.numpy as jnp
from jax import lax
from jax.experimental import pallas as pl
from jax.experimental.pallas import tpu as pltpu
from jax.experimental.pallas import tpu_sc as plsc

N = 10000
E = 320000
D = 128
G = 64
H1 = 256
RD = 256
NG = N * G
NC = 2
NS = 16
NW = NC * NS
TROW = E // 128
ROWS = TROW // NW + 1
EPAD = ROWS * 128
WPT = NG // NS
ZCH = 8000


def _sc_body(ei_hbm, attr_hbm, batch_hbm, out_hbm,
             batch_v, ei_v, attr_v, keys_v, vals_v, zbuf_v, zbuf2_v,
             w_sh, sem_stage, sem_zero, sem_scat, sem_wb):
    c = lax.axis_index("c")
    s = lax.axis_index("s")
    wid = c * NS + s
    r0 = (TROW * wid) // NW
    nr = (TROW * (wid + 1)) // NW - r0

    cp_b = pltpu.async_copy(batch_hbm, batch_v, sem_stage)
    cp_e = pltpu.async_copy(ei_hbm.at[:, pl.ds(r0 * 128, EPAD)],
                            ei_v, sem_stage)
    cp_a = pltpu.async_copy(attr_hbm.at[pl.ds(r0, ROWS)], attr_v, sem_stage)

    def zero_body(i, carry):
        zbuf_v[pl.ds(i * 16, 16)] = jnp.zeros((16,), jnp.float32)
        return carry
    lax.fori_loop(0, ZCH // 16, zero_body, 0)
    zcps = [pltpu.async_copy(zbuf_v, w_sh.at[pl.ds(s * WPT + r * ZCH, ZCH)],
                             sem_zero)
            for r in range(WPT // ZCH)]

    cp_b.wait()
    cp_e.wait()
    cp_a.wait()

    def key_body(j, carry):
        row_valid = j < nr
        for k in range(8):
            off = j * 128 + k * 16
            d = jnp.where(row_valid, ei_v[1, pl.ds(off, 16)], 0)
            sg = plsc.load_gather(batch_v, [d])
            sv = ei_v[0, pl.ds(off, 16)]
            hi_half = (sv >= N // 2).astype(jnp.int32)
            key = (sv - (N // 2) * hi_half) * (2 * G) + G * hi_half + sg
            keys_v[j, pl.ds(k * 16, 16)] = jnp.where(row_valid, key, 0)
            vals_v[j, pl.ds(k * 16, 16)] = jnp.where(
                row_valid, attr_v[j, 0, pl.ds(k * 16, 16)], 0.0)
        return carry
    lax.fori_loop(0, ROWS, key_body, 0)

    for cp in zcps:
        cp.wait()
    plsc.subcore_barrier()

    def scat_fire(j, carry):
        pltpu.async_copy(vals_v.at[j], w_sh.at[keys_v.at[j]], sem_scat,
                         add=True)
        return carry
    lax.fori_loop(0, ROWS, scat_fire, 0)

    def scat_drain(j, carry):
        pltpu.make_async_copy(vals_v.at[j], w_sh.at[keys_v.at[j]],
                              sem_scat).wait()
        return carry
    lax.fori_loop(0, ROWS, scat_drain, 0)

    plsc.subcore_barrier()

    bufs = (zbuf_v, zbuf2_v)
    outs = []
    for r in range(WPT // ZCH):
        buf = bufs[r % 2]
        if r >= 2:
            outs[r - 2].wait()
        pltpu.sync_copy(w_sh.at[pl.ds(s * WPT + r * ZCH, ZCH)], buf)
        outs.append(pltpu.async_copy(
            buf, out_hbm.at[pl.ds(c * NG + s * WPT + r * ZCH, ZCH)], sem_wb))
    outs[-2].wait()
    outs[-1].wait()


def _build_w(edge_index, attr, batch):
    mesh = plsc.VectorSubcoreMesh(core_axis_name="c", subcore_axis_name="s")
    f = pl.kernel(
        _sc_body,
        out_type=jax.ShapeDtypeStruct((NC * NG,), jnp.float32),
        mesh=mesh,
        compiler_params=pltpu.CompilerParams(needs_layout_passes=False),
        scratch_types=[
            pltpu.VMEM((N,), jnp.int32),
            pltpu.VMEM((2, EPAD), jnp.int32),
            pltpu.VMEM((ROWS, 1, 128), jnp.float32),
            pltpu.VMEM((ROWS, 128), jnp.int32),
            pltpu.VMEM((ROWS, 128), jnp.float32),
            pltpu.VMEM((ZCH,), jnp.float32),
            pltpu.VMEM((ZCH,), jnp.float32),
            pltpu.VMEM_SHARED((NG,), jnp.float32),
            pltpu.SemaphoreType.DMA,
            pltpu.SemaphoreType.DMA,
            pltpu.SemaphoreType.DMA,
            pltpu.SemaphoreType.DMA,
        ],
    )
    return f(edge_index, attr, batch)


def _bn(z, g, b):
    mu = jnp.mean(z, axis=0, keepdims=True)
    var = jnp.mean((z - mu) * (z - mu), axis=0, keepdims=True)
    return (z - mu) * jax.lax.rsqrt(var + 1e-5) * g + b


BN = 2000
NSTEPS = N // BN


def _tc_body(w2_ref, xlo_ref, xhi_ref, batchT_ref,
             fc1_W_ref, fc1_b_ref, bn1_g_ref, bn1_b_ref,
             fc2_W_ref, fc2_b_ref, bn2_g_ref, bn2_b_ref,
             r1_W_ref, r1_b_ref, rbn1_g_ref, rbn1_b_ref,
             r2_W_ref, r2_b_ref, rbn2_g_ref, rbn2_b_ref,
             out_WT_ref, out_b_ref, o_ref, sums_acc, cnt_acc):
    hi = jax.lax.Precision.HIGHEST
    i = pl.program_id(0)

    w = w2_ref[0] + w2_ref[1]
    s1 = jax.lax.dot_general(w, xlo_ref[...],
                             (((0,), (0,)), ((), ())), precision=hi)
    s2 = jax.lax.dot_general(w, xhi_ref[...],
                             (((0,), (0,)), ((), ())), precision=hi)
    psum = s1[:G] + s2[G:]
    gids = jax.lax.broadcasted_iota(jnp.int32, (G, BN), 0)
    onehot = (gids == batchT_ref[0]).astype(jnp.float32)
    pcnt = jnp.sum(onehot, axis=1, keepdims=True)

    @pl.when(i == 0)
    def _():
        sums_acc[...] = psum
        cnt_acc[...] = pcnt

    @pl.when(i > 0)
    def _():
        sums_acc[...] += psum
        cnt_acc[...] += pcnt

    @pl.when(i == NSTEPS - 1)
    def _():
        p = sums_acc[...] / jnp.maximum(cnt_acc[...], 1.0)
        h = jnp.maximum(_bn(jnp.dot(p, fc1_W_ref[...]) + fc1_b_ref[...],
                            bn1_g_ref[...], bn1_b_ref[...]), 0.0)
        h = jnp.maximum(_bn(jnp.dot(h, fc2_W_ref[...]) + fc2_b_ref[...],
                            bn2_g_ref[...], bn2_b_ref[...]), 0.0)
        res = h
        h = _bn(jnp.dot(h, r1_W_ref[...]) + r1_b_ref[...],
                rbn1_g_ref[...], rbn1_b_ref[...])
        h = jnp.maximum(h, 0.0)
        h = _bn(jnp.dot(h, r2_W_ref[...]) + r2_b_ref[...],
                rbn2_g_ref[...], rbn2_b_ref[...])
        h = jnp.maximum(h + res, 0.0)
        o_ref[...] = (jnp.sum(h * out_WT_ref[...], axis=1, keepdims=True)
                      + out_b_ref[...]).reshape(1, G)


def kernel(x, edge_index, edge_attr, batch,
           fc1_W, fc1_b, bn1_g, bn1_b,
           fc2_W, fc2_b, bn2_g, bn2_b,
           r1_W, r1_b, rbn1_g, rbn1_b,
           r2_W, r2_b, rbn2_g, rbn2_b,
           out_W, out_b):
    w_flat = _build_w(edge_index, edge_attr.reshape(TROW, 1, 128), batch)
    w2 = w_flat.reshape(NC, N // 2, 2 * G)

    row = lambda v: v.reshape(1, -1)
    full = lambda *shape: pl.BlockSpec(shape, lambda i: (0,) * len(shape))
    tc = pl.pallas_call(
        _tc_body,
        grid=(NSTEPS,),
        in_specs=[
            pl.BlockSpec((NC, BN // 2, 2 * G), lambda i: (0, i, 0)),
            pl.BlockSpec((BN // 2, D), lambda i: (i, 0)),
            pl.BlockSpec((BN // 2, D), lambda i: (i + NSTEPS, 0)),
            pl.BlockSpec((1, 1, BN), lambda i: (i, 0, 0)),
            full(D, H1), full(1, H1), full(1, H1), full(1, H1),
            full(H1, RD), full(1, RD), full(1, RD), full(1, RD),
            full(RD, RD), full(1, RD), full(1, RD), full(1, RD),
            full(RD, RD), full(1, RD), full(1, RD), full(1, RD),
            full(1, RD), full(1, 1),
        ],
        out_specs=pl.BlockSpec((1, G), lambda i: (0, 0)),
        scratch_shapes=[
            pltpu.VMEM((G, D), jnp.float32),
            pltpu.VMEM((G, 1), jnp.float32),
        ],
        out_shape=jax.ShapeDtypeStruct((1, G), jnp.float32),
    )
    out = tc(w2, x, x, batch.reshape(NSTEPS, 1, BN),
              fc1_W, row(fc1_b), row(bn1_g), row(bn1_b),
              fc2_W, row(fc2_b), row(bn2_g), row(bn2_b),
              r1_W, row(r1_b), row(rbn1_g), row(rbn1_b),
              r2_W, row(r2_b), row(rbn2_g), row(rbn2_b),
              out_W.reshape(1, RD), out_b.reshape(1, 1))
    return out.reshape(G, 1)

# --- scband reference (transcript-rebuilt; emitter-appended) ---
"""Pipeline reference for scband-sym-eq-net-2911987826902 (READ-ONLY COPY).

The authoritative reference and input builder live on the scoring server;
editing this copy changes nothing except your own understanding.
"""

import jax, jax.numpy as jnp
import numpy as np

N = 10000
E = 320000
D = 128
H1 = 256
RD = 256
G = 64


def setup_inputs(seed: int = 0) -> dict:
    key = jax.random.key(seed)
    ks = jax.random.split(key, 24)
    x = jax.random.normal(ks[0], (N, D), dtype=jnp.float32)
    edge_index = jax.random.randint(ks[1], (2, E), 0, N, dtype=jnp.int32)
    edge_attr = jax.random.uniform(ks[2], (E, 1), dtype=jnp.float32)
    batch = jnp.sort(jax.random.randint(ks[3], (N,), 0, G, dtype=jnp.int32))
    def lin(k, fin, fout):
        kw, kb = jax.random.split(k)
        W = jax.random.normal(kw, (fin, fout), dtype=jnp.float32) / np.sqrt(fin)
        b = jax.random.normal(kb, (fout,), dtype=jnp.float32) * 0.01
        return W, b
    fc1_W, fc1_b = lin(ks[4], D, H1)
    fc2_W, fc2_b = lin(ks[5], H1, RD)
    r1_W, r1_b = lin(ks[6], RD, RD)
    r2_W, r2_b = lin(ks[7], RD, RD)
    out_W, out_b = lin(ks[8], RD, 1)
    ones = lambda n: jnp.ones((n,), dtype=jnp.float32)
    zeros = lambda n: jnp.zeros((n,), dtype=jnp.float32)
    return {
        'x': x, 'edge_index': edge_index, 'edge_attr': edge_attr, 'batch': batch,
        'fc1_W': fc1_W, 'fc1_b': fc1_b, 'bn1_g': ones(H1), 'bn1_b': zeros(H1),
        'fc2_W': fc2_W, 'fc2_b': fc2_b, 'bn2_g': ones(RD), 'bn2_b': zeros(RD),
        'r1_W': r1_W, 'r1_b': r1_b, 'rbn1_g': ones(RD), 'rbn1_b': zeros(RD),
        'r2_W': r2_W, 'r2_b': r2_b, 'rbn2_g': ones(RD), 'rbn2_b': zeros(RD),
        'out_W': out_W, 'out_b': out_b,
    }


def _bn(z, g, b):
    mu = jnp.mean(z, axis=0)
    var = jnp.var(z, axis=0)
    return (z - mu) / jnp.sqrt(var + 1e-5) * g + b


def reference(x, edge_index, edge_attr, batch,
              fc1_W, fc1_b, bn1_g, bn1_b,
              fc2_W, fc2_b, bn2_g, bn2_b,
              r1_W, r1_b, rbn1_g, rbn1_b,
              r2_W, r2_b, rbn2_g, rbn2_b,
              out_W, out_b):
    # SimpleConv (aggr='sum', combine_root=None): message = x_j * edge_weight, scatter-add to dst
    src = edge_index[0]
    dst = edge_index[1]
    msgs = jnp.take(x, src, axis=0) * edge_attr
    h = jax.ops.segment_sum(msgs, dst, num_segments=N)
    # global_mean_pool over batch assignment
    sums = jax.ops.segment_sum(h, batch, num_segments=G)
    cnt = jax.ops.segment_sum(jnp.ones((N, 1), dtype=h.dtype), batch, num_segments=G)
    p = sums / jnp.maximum(cnt, 1.0)
    h = jax.nn.relu(_bn(p @ fc1_W + fc1_b, bn1_g, bn1_b))
    h = jax.nn.relu(_bn(h @ fc2_W + fc2_b, bn2_g, bn2_b))
    res = h
    h = _bn(h @ r1_W + r1_b, rbn1_g, rbn1_b)
    h = jax.nn.relu(h)
    h = _bn(h @ r2_W + r2_b, rbn2_g, rbn2_b)
    h = jax.nn.relu(h + res)
    return h @ out_W + out_b

if __name__ == "__main__":
    import jax
    _d = setup_inputs()
    print(jax.jit(kernel)(*tuple(_d.values())))

</pallas_src>

<mosaic_0001>
#map = affine_map<(d0, d1) -> (0, 0)>
#map1 = affine_map<(d0, d1) -> (0, 0, 0)>
#map2 = affine_map<(d0, d1) -> (0)>
module attributes {stable_mosaic.version = 14 : i64} {
  func.func @_sc_body(%arg0: i32, %arg1: i32, %arg2: memref<2x320000xi32, #tpu.memory_space<hbm>>, %arg3: memref<2500x1x128xf32, #tpu.memory_space<hbm>>, %arg4: memref<10000xi32, #tpu.memory_space<hbm>>, %arg5: memref<1280000xf32, #tpu.memory_space<hbm>>, %arg6: memref<10000xi32, #tpu.memory_space<vmem>>, %arg7: memref<2x10112xi32, #tpu.memory_space<vmem>>, %arg8: memref<79x1x128xf32, #tpu.memory_space<vmem>>, %arg9: memref<79x128xi32, #tpu.memory_space<vmem>>, %arg10: memref<79x128xf32, #tpu.memory_space<vmem>>, %arg11: memref<8000xf32, #tpu.memory_space<vmem>>, %arg12: memref<8000xf32, #tpu.memory_space<vmem>>, %arg13: memref<640000xf32, #tpu.memory_space<vmem_shared>>, %arg14: memref<!tpu.dma_semaphore, #tpu.memory_space<semaphore_mem>>, %arg15: memref<!tpu.dma_semaphore, #tpu.memory_space<semaphore_mem>>, %arg16: memref<!tpu.dma_semaphore, #tpu.memory_space<semaphore_mem>>, %arg17: memref<!tpu.dma_semaphore, #tpu.memory_space<semaphore_mem>>) attributes {dimension_semantics = [#tpu.dimension_semantics<core_parallel>, #tpu.dimension_semantics<subcore_parallel>], iteration_bounds = array<i64: 2, 16>, scalar_prefetch = 0 : i64, scratch_operands = 12 : i64, tpu.core_type = #tpu.core_type<sc_vector_subcore>, window_params = [{transform_indices = #map}, {transform_indices = #map1}, {transform_indices = #map2}, {transform_indices = #map2}]} {
    %mul3A = arith.constant 16 : i32
    %mul3A_0 = arith.muli %arg0, %mul3A : i32
    %add3A = arith.addi %mul3A_0, %arg1 : i32
    %mul3A_1 = arith.constant 2500 : i32
    %mul3A_2 = arith.muli %mul3A_1, %add3A : i32
    %jit3A = arith.constant 32 : i32
    %div3A = arith.divsi %mul3A_2, %jit3A : i32
    %sign3A = arith.constant 0 : i32
    %sign3A_3 = arith.cmpi sgt, %mul3A_2, %sign3A : i32
    %sign3A_4 = arith.extui %sign3A_3 : i1 to i32
    %sign3A_5 = arith.constant 0 : i32
    %sign3A_6 = arith.cmpi slt, %mul3A_2, %sign3A_5 : i32
    %sign3A_7 = arith.extui %sign3A_6 : i1 to i32
    %sign3A_8 = arith.subi %sign3A_4, %sign3A_7 : i32
    %sign3A_9 = arith.constant 0 : i32
    %sign3A_10 = arith.cmpi sgt, %jit3A, %sign3A_9 : i32
    %sign3A_11 = arith.extui %sign3A_10 : i1 to i32
    %sign3A_12 = arith.constant 0 : i32
    %sign3A_13 = arith.cmpi slt, %jit3A, %sign3A_12 : i32
    %sign3A_14 = arith.extui %sign3A_13 : i1 to i32
    %sign3A_15 = arith.subi %sign3A_11, %sign3A_14 : i32
    %ne3A = arith.cmpi ne, %sign3A_8, %sign3A_15 : i32
    %rem3A = arith.remsi %mul3A_2, %jit3A : i32
    %ne3A_16 = arith.constant 0 : i32
    %ne3A_17 = arith.cmpi ne, %rem3A, %ne3A_16 : i32
    %and3A = arith.andi %ne3A, %ne3A_17 : i1
    %sub3A = arith.constant 1 : i32
    %sub3A_18 = arith.subi %div3A, %sub3A : i32
    %select_n3A = arith.select %and3A, %sub3A_18, %div3A : i32
    %add3A_19 = arith.constant 1 : i32
    %add3A_20 = arith.addi %add3A, %add3A_19 : i32
    %mul3A_21 = arith.constant 2500 : i32
    %mul3A_22 = arith.muli %mul3A_21, %add3A_20 : i32
    %jit3A_23 = arith.constant 32 : i32
    %div3A_24 = arith.divsi %mul3A_22, %jit3A_23 : i32
    %sign3A_25 = arith.constant 0 : i32
    %sign3A_26 = arith.cmpi sgt, %mul3A_22, %sign3A_25 : i32
    %sign3A_27 = arith.extui %sign3A_26 : i1 to i32
    %sign3A_28 = arith.constant 0 : i32
    %sign3A_29 = arith.cmpi slt, %mul3A_22, %sign3A_28 : i32
    %sign3A_30 = arith.extui %sign3A_29 : i1 to i32
    %sign3A_31 = arith.subi %sign3A_27, %sign3A_30 : i32
    %sign3A_32 = arith.constant 0 : i32
    %sign3A_33 = arith.cmpi sgt, %jit3A_23, %sign3A_32 : i32
    %sign3A_34 = arith.extui %sign3A_33 : i1 to i32
    %sign3A_35 = arith.constant 0 : i32
    %sign3A_36 = arith.cmpi slt, %jit3A_23, %sign3A_35 : i32
    %sign3A_37 = arith.extui %sign3A_36 : i1 to i32
    %sign3A_38 = arith.subi %sign3A_34, %sign3A_37 : i32
    %ne3A_39 = arith.cmpi ne, %sign3A_31, %sign3A_38 : i32
    %rem3A_40 = arith.remsi %mul3A_22, %jit3A_23 : i32
    %ne3A_41 = arith.constant 0 : i32
    %ne3A_42 = arith.cmpi ne, %rem3A_40, %ne3A_41 : i32
    %and3A_43 = arith.andi %ne3A_39, %ne3A_42 : i1
    %sub3A_44 = arith.constant 1 : i32
    %sub3A_45 = arith.subi %div3A_24, %sub3A_44 : i32
    %select_n3A_46 = arith.select %and3A_43, %sub3A_45, %div3A_24 : i32
    %sub3A_47 = arith.subi %select_n3A_46, %select_n3A : i32
    tpu.enqueue_dma source(%arg4 : memref<10000xi32, #tpu.memory_space<hbm>>) target(%arg6 : memref<10000xi32, #tpu.memory_space<vmem>>) target_semaphore(%arg14 : memref<!tpu.dma_semaphore, #tpu.memory_space<semaphore_mem>>)
    %mul3A_48 = arith.constant 128 : i32
    %mul3A_49 = arith.muli %select_n3A, %mul3A_48 : i32
    %dma_start3A = arith.constant 0 : i32
    %dma_start3A_50 = tpu.memref_slice %arg2[%dma_start3A, %mul3A_49] : memref<2x320000xi32, #tpu.memory_space<hbm>> -> memref<2x10112xi32, #tpu.memory_space<hbm>>
    %dma_start3A_51 = arith.constant 0 : i32
    %dma_start3A_52 = tpu.memref_slice %arg2[%dma_start3A_51, %mul3A_49] : memref<2x320000xi32, #tpu.memory_space<hbm>> -> memref<2x10112xi32, #tpu.memory_space<hbm>>
    tpu.enqueue_dma source(%dma_start3A_52 : memref<2x10112xi32, #tpu.memory_space<hbm>>) target(%arg7 : memref<2x10112xi32, #tpu.memory_space<vmem>>) target_semaphore(%arg14 : memref<!tpu.dma_semaphore, #tpu.memory_space<semaphore_mem>>)
    %dma_start3A_53 = arith.constant 0 : i32
    %dma_start3A_54 = arith.constant 0 : i32
    %dma_start3A_55 = tpu.memref_slice %arg3[%select_n3A, %dma_start3A_53, %dma_start3A_54] : memref<2500x1x128xf32, #tpu.memory_space<hbm>> -> memref<79x1x128xf32, #tpu.memory_space<hbm>>
    %dma_start3A_56 = arith.constant 0 : i32
    %dma_start3A_57 = arith.constant 0 : i32
    %dma_start3A_58 = tpu.memref_slice %arg3[%select_n3A, %dma_start3A_56, %dma_start3A_57] : memref<2500x1x128xf32, #tpu.memory_space<hbm>> -> memref<79x1x128xf32, #tpu.memory_space<hbm>>
    tpu.enqueue_dma source(%dma_start3A_58 : memref<79x1x128xf32, #tpu.memory_space<hbm>>) target(%arg8 : memref<79x1x128xf32, #tpu.memory_space<vmem>>) target_semaphore(%arg14 : memref<!tpu.dma_semaphore, #tpu.memory_space<semaphore_mem>>)
    %scan3A = arith.constant 0 : i32
    %scan3A_59 = arith.constant 0 : i32
    %scan3A_60 = arith.constant 500 : i32
    %scan3A_61 = arith.addi %scan3A_59, %scan3A_60 : i32
    %scan3A_62 = arith.constant 1 : i32
    scf.for %scan3A_207 = %scan3A_59 to %scan3A_61 step %scan3A_62  : i32 {
      %broadcast_in_dim3A = arith.constant 0.000000e+00 : f32
      %broadcast_in_dim3A_208 = vector.broadcast %broadcast_in_dim3A : f32 to vector<16xf32>
      %mul3A_209 = arith.constant 16 : i32
      %mul3A_210 = arith.muli %scan3A_207, %mul3A_209 : i32
      %swap3A = arith.index_cast %mul3A_210 : i32 to index
      %swap3A_211 = tpu.vector_load %arg11[%swap3A] {strides = array<i32>} : memref<8000xf32, #tpu.memory_space<vmem>>, vector<16xf32>,
      tpu.vector_store %arg11[%swap3A], %broadcast_in_dim3A_208 {strides = array<i32>} : memref<8000xf32, #tpu.memory_space<vmem>>, vector<16xf32>,
    }
    %scan3A_63 = arith.constant 500 : i32
    %mul3A_64 = arith.constant 40000 : i32
    %mul3A_65 = arith.muli %arg1, %mul3A_64 : i32
    %add3A_66 = arith.constant 0 : i32
    %add3A_67 = arith.addi %mul3A_65, %add3A_66 : i32
    %dma_start3A_68 = tpu.memref_slice %arg13[%add3A_67] : memref<640000xf32, #tpu.memory_space<vmem_shared>> -> memref<8000xf32, #tpu.memory_space<vmem_shared>>
    %dma_start3A_69 = tpu.memref_slice %arg13[%add3A_67] : memref<640000xf32, #tpu.memory_space<vmem_shared>> -> memref<8000xf32, #tpu.memory_space<vmem_shared>>
    tpu.enqueue_dma source(%arg11 : memref<8000xf32, #tpu.memory_space<vmem>>) target(%dma_start3A_69 : memref<8000xf32, #tpu.memory_space<vmem_shared>>) target_semaphore(%arg15 : memref<!tpu.dma_semaphore, #tpu.memory_space<semaphore_mem>>)
    %mul3A_70 = arith.constant 40000 : i32
    %mul3A_71 = arith.muli %arg1, %mul3A_70 : i32
    %add3A_72 = arith.constant 8000 : i32
    %add3A_73 = arith.addi %mul3A_71, %add3A_72 : i32
    %dma_start3A_74 = tpu.memref_slice %arg13[%add3A_73] : memref<640000xf32, #tpu.memory_space<vmem_shared>> -> memref<8000xf32, #tpu.memory_space<vmem_shared>>
    %dma_start3A_75 = tpu.memref_slice %arg13[%add3A_73] : memref<640000xf32, #tpu.memory_space<vmem_shared>> -> memref<8000xf32, #tpu.memory_space<vmem_shared>>
    tpu.enqueue_dma source(%arg11 : memref<8000xf32, #tpu.memory_space<vmem>>) target(%dma_start3A_75 : memref<8000xf32, #tpu.memory_space<vmem_shared>>) target_semaphore(%arg15 : memref<!tpu.dma_semaphore, #tpu.memory_space<semaphore_mem>>)
    %mul3A_76 = arith.constant 40000 : i32
    %mul3A_77 = arith.muli %arg1, %mul3A_76 : i32
    %add3A_78 = arith.constant 16000 : i32
    %add3A_79 = arith.addi %mul3A_77, %add3A_78 : i32
    %dma_start3A_80 = tpu.memref_slice %arg13[%add3A_79] : memref<640000xf32, #tpu.memory_space<vmem_shared>> -> memref<8000xf32, #tpu.memory_space<vmem_shared>>
    %dma_start3A_81 = tpu.memref_slice %arg13[%add3A_79] : memref<640000xf32, #tpu.memory_space<vmem_shared>> -> memref<8000xf32, #tpu.memory_space<vmem_shared>>
    tpu.enqueue_dma source(%arg11 : memref<8000xf32, #tpu.memory_space<vmem>>) target(%dma_start3A_81 : memref<8000xf32, #tpu.memory_space<vmem_shared>>) target_semaphore(%arg15 : memref<!tpu.dma_semaphore, #tpu.memory_space<semaphore_mem>>)
    %mul3A_82 = arith.constant 40000 : i32
    %mul3A_83 = arith.muli %arg1, %mul3A_82 : i32
    %add3A_84 = arith.constant 24000 : i32
    %add3A_85 = arith.addi %mul3A_83, %add3A_84 : i32
    %dma_start3A_86 = tpu.memref_slice %arg13[%add3A_85] : memref<640000xf32, #tpu.memory_space<vmem_shared>> -> memref<8000xf32, #tpu.memory_space<vmem_shared>>
    %dma_start3A_87 = tpu.memref_slice %arg13[%add3A_85] : memref<640000xf32, #tpu.memory_space<vmem_shared>> -> memref<8000xf32, #tpu.memory_space<vmem_shared>>
    tpu.enqueue_dma source(%arg11 : memref<8000xf32, #tpu.memory_space<vmem>>) target(%dma_start3A_87 : memref<8000xf32, #tpu.memory_space<vmem_shared>>) target_semaphore(%arg15 : memref<!tpu.dma_semaphore, #tpu.memory_space<semaphore_mem>>)
    %mul3A_88 = arith.constant 40000 : i32
    %mul3A_89 = arith.muli %arg1, %mul3A_88 : i32
    %add3A_90 = arith.constant 32000 : i32
    %add3A_91 = arith.addi %mul3A_89, %add3A_90 : i32
    %dma_start3A_92 = tpu.memref_slice %arg13[%add3A_91] : memref<640000xf32, #tpu.memory_space<vmem_shared>> -> memref<8000xf32, #tpu.memory_space<vmem_shared>>
    %dma_start3A_93 = tpu.memref_slice %arg13[%add3A_91] : memref<640000xf32, #tpu.memory_space<vmem_shared>> -> memref<8000xf32, #tpu.memory_space<vmem_shared>>
    tpu.enqueue_dma source(%arg11 : memref<8000xf32, #tpu.memory_space<vmem>>) target(%dma_start3A_93 : memref<8000xf32, #tpu.memory_space<vmem_shared>>) target_semaphore(%arg15 : memref<!tpu.dma_semaphore, #tpu.memory_space<semaphore_mem>>)
    tpu.wait_dma2 semaphore(%arg14 : memref<!tpu.dma_semaphore, #tpu.memory_space<semaphore_mem>>) src(%arg4 : memref<10000xi32, #tpu.memory_space<hbm>>) dst(%arg6 : memref<10000xi32, #tpu.memory_space<vmem>>)
    %dma_wait3A = arith.constant 0 : i32
    %dma_wait3A_94 = tpu.memref_slice %arg2[%dma_wait3A, %mul3A_49] : memref<2x320000xi32, #tpu.memory_space<hbm>> -> memref<2x10112xi32, #tpu.memory_space<hbm>>
    %dma_wait3A_95 = arith.constant 0 : i32
    %dma_wait3A_96 = tpu.memref_slice %arg2[%dma_wait3A_95, %mul3A_49] : memref<2x320000xi32, #tpu.memory_space<hbm>> -> memref<2x10112xi32, #tpu.memory_space<hbm>>
    tpu.wait_dma2 semaphore(%arg14 : memref<!tpu.dma_semaphore, #tpu.memory_space<semaphore_mem>>) src(%dma_wait3A_96 : memref<2x10112xi32, #tpu.memory_space<hbm>>) dst(%arg7 : memref<2x10112xi32, #tpu.memory_space<vmem>>)
    %dma_wait3A_97 = arith.constant 0 : i32
    %dma_wait3A_98 = arith.constant 0 : i32
    %dma_wait3A_99 = tpu.memref_slice %arg3[%select_n3A, %dma_wait3A_97, %dma_wait3A_98] : memref<2500x1x128xf32, #tpu.memory_space<hbm>> -> memref<79x1x128xf32, #tpu.memory_space<hbm>>
    %dma_wait3A_100 = arith.constant 0 : i32
    %dma_wait3A_101 = arith.constant 0 : i32
    %dma_wait3A_102 = tpu.memref_slice %arg3[%select_n3A, %dma_wait3A_100, %dma_wait3A_101] : memref<2500x1x128xf32, #tpu.memory_space<hbm>> -> memref<79x1x128xf32, #tpu.memory_space<hbm>>
    tpu.wait_dma2 semaphore(%arg14 : memref<!tpu.dma_semaphore, #tpu.memory_space<semaphore_mem>>) src(%dma_wait3A_102 : memref<79x1x128xf32, #tpu.memory_space<hbm>>) dst(%arg8 : memref<79x1x128xf32, #tpu.memory_space<vmem>>)
    %scan3A_103 = arith.constant 0 : i32
    %scan3A_104 = arith.constant 0 : i32
    %scan3A_105 = arith.constant 79 : i32
    %scan3A_106 = arith.addi %scan3A_104, %scan3A_105 : i32
    %scan3A_107 = arith.constant 1 : i32
    scf.for %scan3A_207 = %scan3A_104 to %scan3A_106 step %scan3A_107  : i32 {
      %lt3A = arith.cmpi slt, %scan3A_207, %sub3A_47 : i32
      %mul3A_208 = arith.constant 128 : i32
      %mul3A_209 = arith.muli %scan3A_207, %mul3A_208 : i32
      %add3A_210 = arith.constant 0 : i32
      %add3A_211 = arith.addi %mul3A_209, %add3A_210 : i32
      %get3A = arith.constant 1 : i32
      %get3A_212 = arith.index_cast %get3A : i32 to index
      %get3A_213 = arith.index_cast %add3A_211 : i32 to index
      %get3A_214 = tpu.vector_load %arg7[%get3A_212, %get3A_213] {strides = array<i32>} : memref<2x10112xi32, #tpu.memory_space<vmem>>, vector<16xi32>,
      %jit3A_215 = arith.constant 0 : i32
      %broadcast_in_dim3A = vector.broadcast %jit3A_215 : i32 to vector<16xi32>
      %select_n3A_216 = arith.select %lt3A, %get3A_214, %broadcast_in_dim3A : vector<16xi32>
      %gather3A = tpu.vector_load_idx %arg6[%select_n3A_216] : memref<10000xi32, #tpu.memory_space<vmem>>[vector<16xi32>], vector<16xi32>,
      %get3A_217 = arith.constant 0 : i32
      %get3A_218 = arith.index_cast %get3A_217 : i32 to index
      %get3A_219 = arith.index_cast %add3A_211 : i32 to index
      %get3A_220 = tpu.vector_load %arg7[%get3A_218, %get3A_219] {strides = array<i32>} : memref<2x10112xi32, #tpu.memory_space<vmem>>, vector<16xi32>,
      %ge3A = arith.constant 5000 : i32
      %ge3A_221 = vector.broadcast %ge3A : i32 to vector<16xi32>
      %ge3A_222 = arith.cmpi sge, %get3A_220, %ge3A_221 : vector<16xi32>
      %convert_element_type3A = arith.extui %ge3A_222 : vector<16xi1> to vector<16xi32>
      %mul3A_223 = arith.constant 5000 : i32
      %mul3A_224 = vector.broadcast %mul3A_223 : i32 to vector<16xi32>
      %mul3A_225 = arith.muli %mul3A_224, %convert_element_type3A : vector<16xi32>
      %sub3A_226 = arith.subi %get3A_220, %mul3A_225 : vector<16xi32>
      %mul3A_227 = arith.constant 128 : i32
      %mul3A_228 = vector.broadcast %mul3A_227 : i32 to vector<16xi32>
      %mul3A_229 = arith.muli %sub3A_226, %mul3A_228 : vector<16xi32>
      %mul3A_230 = arith.constant 64 : i32
      %mul3A_231 = vector.broadcast %mul3A_230 : i32 to vector<16xi32>
      %mul3A_232 = arith.muli %mul3A_231, %convert_element_type3A : vector<16xi32>
      %add3A_233 = arith.addi %mul3A_229, %mul3A_232 : vector<16xi32>
      %add3A_234 = arith.addi %add3A_233, %gather3A : vector<16xi32>
      %jit3A_235 = arith.constant 0 : i32
      %broadcast_in_dim3A_236 = vector.broadcast %jit3A_235 : i32 to vector<16xi32>
      %select_n3A_237 = arith.select %lt3A, %add3A_234, %broadcast_in_dim3A_236 : vector<16xi32>
      %swap3A = arith.index_cast %scan3A_207 : i32 to index
      %swap3A_238 = arith.constant 0 : index
      %swap3A_239 = tpu.vector_load %arg9[%swap3A, %swap3A_238] {strides = array<i32>} : memref<79x128xi32, #tpu.memory_space<vmem>>, vector<16xi32>,
      tpu.vector_store %arg9[%swap3A, %swap3A_238], %select_n3A_237 {strides = array<i32>} : memref<79x128xi32, #tpu.memory_space<vmem>>, vector<16xi32>,
      %get3A_240 = arith.constant 0 : i32
      %get3A_241 = arith.index_cast %scan3A_207 : i32 to index
      %get3A_242 = arith.index_cast %get3A_240 : i32 to index
      %get3A_243 = arith.constant 0 : index
      %get3A_244 = tpu.vector_load %arg8[%get3A_241, %get3A_242, %get3A_243] {strides = array<i32>} : memref<79x1x128xf32, #tpu.memory_space<vmem>>, vector<16xf32>,
      %jit3A_245 = arith.constant 0.000000e+00 : f32
      %broadcast_in_dim3A_246 = vector.broadcast %jit3A_245 : f32 to vector<16xf32>
      %select_n3A_247 = arith.select %lt3A, %get3A_244, %broadcast_in_dim3A_246 : vector<16xf32>
      %swap3A_248 = arith.index_cast %scan3A_207 : i32 to index
      %swap3A_249 = arith.constant 0 : index
      %swap3A_250 = tpu.vector_load %arg10[%swap3A_248, %swap3A_249] {strides = array<i32>} : memref<79x128xf32, #tpu.memory_space<vmem>>, vector<16xf32>,
      tpu.vector_store %arg10[%swap3A_248, %swap3A_249], %select_n3A_247 {strides = array<i32>} : memref<79x128xf32, #tpu.memory_space<vmem>>, vector<16xf32>,
      %mul3A_251 = arith.constant 128 : i32
      %mul3A_252 = arith.muli %scan3A_207, %mul3A_251 : i32
      %add3A_253 = arith.constant 16 : i32
      %add3A_254 = arith.addi %mul3A_252, %add3A_253 : i32
      %get3A_255 = arith.constant 1 : i32
      %get3A_256 = arith.index_cast %get3A_255 : i32 to index
      %get3A_257 = arith.index_cast %add3A_254 : i32 to index
      %get3A_258 = tpu.vector_load %arg7[%get3A_256, %get3A_257] {strides = array<i32>} : memref<2x10112xi32, #tpu.memory_space<vmem>>, vector<16xi32>,
      %jit3A_259 = arith.constant 0 : i32
      %broadcast_in_dim3A_260 = vector.broadcast %jit3A_259 : i32 to vector<16xi32>
      %select_n3A_261 = arith.select %lt3A, %get3A_258, %broadcast_in_dim3A_260 : vector<16xi32>
      %gather3A_262 = tpu.vector_load_idx %arg6[%select_n3A_261] : memref<10000xi32, #tpu.memory_space<vmem>>[vector<16xi32>], vector<16xi32>,
      %get3A_263 = arith.constant 0 : i32
      %get3A_264 = arith.index_cast %get3A_263 : i32 to index
      %get3A_265 = arith.index_cast %add3A_254 : i32 to index
      %get3A_266 = tpu.vector_load %arg7[%get3A_264, %get3A_265] {strides = array<i32>} : memref<2x10112xi32, #tpu.memory_space<vmem>>, vector<16xi32>,
      %ge3A_267 = arith.constant 5000 : i32
      %ge3A_268 = vector.broadcast %ge3A_267 : i32 to vector<16xi32>
      %ge3A_269 = arith.cmpi sge, %get3A_266, %ge3A_268 : vector<16xi32>
      %convert_element_type3A_270 = arith.extui %ge3A_269 : vector<16xi1> to vector<16xi32>
      %mul3A_271 = arith.constant 5000 : i32
      %mul3A_272 = vector.broadcast %mul3A_271 : i32 to vector<16xi32>
      %mul3A_273 = arith.muli %mul3A_272, %convert_element_type3A_270 : vector<16xi32>
      %sub3A_274 = arith.subi %get3A_266, %mul3A_273 : vector<16xi32>
      %mul3A_275 = arith.constant 128 : i32
      %mul3A_276 = vector.broadcast %mul3A_275 : i32 to vector<16xi32>
      %mul3A_277 = arith.muli %sub3A_274, %mul3A_276 : vector<16xi32>
      %mul3A_278 = arith.constant 64 : i32
      %mul3A_279 = vector.broadcast %mul3A_278 : i32 to vector<16xi32>
      %mul3A_280 = arith.muli %mul3A_279, %convert_element_type3A_270 : vector<16xi32>
      %add3A_281 = arith.addi %mul3A_277, %mul3A_280 : vector<16xi32>
      %add3A_282 = arith.addi %add3A_281, %gather3A_262 : vector<16xi32>
      %jit3A_283 = arith.constant 0 : i32
      %broadcast_in_dim3A_284 = vector.broadcast %jit3A_283 : i32 to vector<16xi32>
      %select_n3A_285 = arith.select %lt3A, %add3A_282, %broadcast_in_dim3A_284 : vector<16xi32>
      %swap3A_286 = arith.index_cast %scan3A_207 : i32 to index
      %swap3A_287 = arith.constant 16 : index
      %swap3A_288 = tpu.vector_load %arg9[%swap3A_286, %swap3A_287] {strides = array<i32>} : memref<79x128xi32, #tpu.memory_space<vmem>>, vector<16xi32>,
      tpu.vector_store %arg9[%swap3A_286, %swap3A_287], %select_n3A_285 {strides = array<i32>} : memref<79x128xi32, #tpu.memory_space<vmem>>, vector<16xi32>,
      %get3A_289 = arith.constant 0 : i32
      %get3A_290 = arith.index_cast %scan3A_207 : i32 to index
      %get3A_291 = arith.index_cast %get3A_289 : i32 to index
      %get3A_292 = arith.constant 16 : index
      %get3A_293 = tpu.vector_load %arg8[%get3A_290, %get3A_291, %get3A_292] {strides = array<i32>} : memref<79x1x128xf32, #tpu.memory_space<vmem>>, vector<16xf32>,
      %jit3A_294 = arith.constant 0.000000e+00 : f32
      %broadcast_in_dim3A_295 = vector.broadcast %jit3A_294 : f32 to vector<16xf32>
      %select_n3A_296 = arith.select %lt3A, %get3A_293, %broadcast_in_dim3A_295 : vector<16xf32>
      %swap3A_297 = arith.index_cast %scan3A_207 : i32 to index
      %swap3A_298 = arith.constant 16 : index
      %swap3A_299 = tpu.vector_load %arg10[%swap3A_297, %swap3A_298] {strides = array<i32>} : memref<79x128xf32, #tpu.memory_space<vmem>>, vector<16xf32>,
      tpu.vector_store %arg10[%swap3A_297, %swap3A_298], %select_n3A_296 {strides = array<i32>} : memref<79x128xf32, #tpu.memory_space<vmem>>, vector<16xf32>,
      %mul3A_300 = arith.constant 128 : i32
      %mul3A_301 = arith.muli %scan3A_207, %mul3A_300 : i32
      %add3A_302 = arith.constant 32 : i32
      %add3A_303 = arith.addi %mul3A_301, %add3A_302 : i32
      %get3A_304 = arith.constant 1 : i32
      %get3A_305 = arith.index_cast %get3A_304 : i32 to index
      %get3A_306 = arith.index_cast %add3A_303 : i32 to index
      %get3A_307 = tpu.vector_load %arg7[%get3A_305, %get3A_306] {strides = array<i32>} : memref<2x10112xi32, #tpu.memory_space<vmem>>, vector<16xi32>,
      %jit3A_308 = arith.constant 0 : i32
      %broadcast_in_dim3A_309 = vector.broadcast %jit3A_308 : i32 to vector<16xi32>
      %select_n3A_310 = arith.select %lt3A, %get3A_307, %broadcast_in_dim3A_309 : vector<16xi32>
      %gather3A_311 = tpu.vector_load_idx %arg6[%select_n3A_310] : memref<10000xi32, #tpu.memory_space<vmem>>[vector<16xi32>], vector<16xi32>,
      %get3A_312 = arith.constant 0 : i32
      %get3A_313 = arith.index_cast %get3A_312 : i32 to index
      %get3A_314 = arith.index_cast %add3A_303 : i32 to index
      %get3A_315 = tpu.vector_load %arg7[%get3A_313, %get3A_314] {strides = array<i32>} : memref<2x10112xi32, #tpu.memory_space<vmem>>, vector<16xi32>,
      %ge3A_316 = arith.constant 5000 : i32
      %ge3A_317 = vector.broadcast %ge3A_316 : i32 to vector<16xi32>
      %ge3A_318 = arith.cmpi sge, %get3A_315, %ge3A_317 : vector<16xi32>
      %convert_element_type3A_319 = arith.extui %ge3A_318 : vector<16xi1> to vector<16xi32>
      %mul3A_320 = arith.constant 5000 : i32
      %mul3A_321 = vector.broadcast %mul3A_320 : i32 to vector<16xi32>
      %mul3A_322 = arith.muli %mul3A_321, %convert_element_type3A_319 : vector<16xi32>
      %sub3A_323 = arith.subi %get3A_315, %mul3A_322 : vector<16xi32>
      %mul3A_324 = arith.constant 128 : i32
      %mul3A_325 = vector.broadcast %mul3A_324 : i32 to vector<16xi32>
      %mul3A_326 = arith.muli %sub3A_323, %mul3A_325 : vector<16xi32>
      %mul3A_327 = arith.constant 64 : i32
      %mul3A_328 = vector.broadcast %mul3A_327 : i32 to vector<16xi32>
      %mul3A_329 = arith.muli %mul3A_328, %convert_element_type3A_319 : vector<16xi32>
      %add3A_330 = arith.addi %mul3A_326, %mul3A_329 : vector<16xi32>
      %add3A_331 = arith.addi %add3A_330, %gather3A_311 : vector<16xi32>
      %jit3A_332 = arith.constant 0 : i32
      %broadcast_in_dim3A_333 = vector.broadcast %jit3A_332 : i32 to vector<16xi32>
      %select_n3A_334 = arith.select %lt3A, %add3A_331, %broadcast_in_dim3A_333 : vector<16xi32>
      %swap3A_335 = arith.index_cast %scan3A_207 : i32 to index
      %swap3A_336 = arith.constant 32 : index
      %swap3A_337 = tpu.vector_load %arg9[%swap3A_335, %swap3A_336] {strides = array<i32>} : memref<79x128xi32, #tpu.memory_space<vmem>>, vector<16xi32>,
      tpu.vector_store %arg9[%swap3A_335, %swap3A_336], %select_n3A_334 {strides = array<i32>} : memref<79x128xi32, #tpu.memory_space<vmem>>, vector<16xi32>,
      %get3A_338 = arith.constant 0 : i32
      %get3A_339 = arith.index_cast %scan3A_207 : i32 to index
      %get3A_340 = arith.index_cast %get3A_338 : i32 to index
      %get3A_341 = arith.constant 32 : index
      %get3A_342 = tpu.vector_load %arg8[%get3A_339, %get3A_340, %get3A_341] {strides = array<i32>} : memref<79x1x128xf32, #tpu.memory_space<vmem>>, vector<16xf32>,
      %jit3A_343 = arith.constant 0.000000e+00 : f32
      %broadcast_in_dim3A_344 = vector.broadcast %jit3A_343 : f32 to vector<16xf32>
      %select_n3A_345 = arith.select %lt3A, %get3A_342, %broadcast_in_dim3A_344 : vector<16xf32>
      %swap3A_346 = arith.index_cast %scan3A_207 : i32 to index
      %swap3A_347 = arith.constant 32 : index
      %swap3A_348 = tpu.vector_load %arg10[%swap3A_346, %swap3A_347] {strides = array<i32>} : memref<79x128xf32, #tpu.memory_space<vmem>>, vector<16xf32>,
      tpu.vector_store %arg10[%swap3A_346, %swap3A_347], %select_n3A_345 {strides = array<i32>} : memref<79x128xf32, #tpu.memory_space<vmem>>, vector<16xf32>,
      %mul3A_349 = arith.constant 128 : i32
      %mul3A_350 = arith.muli %scan3A_207, %mul3A_349 : i32
      %add3A_351 = arith.constant 48 : i32
      %add3A_352 = arith.addi %mul3A_350, %add3A_351 : i32
      %get3A_353 = arith.constant 1 : i32
      %get3A_354 = arith.index_cast %get3A_353 : i32 to index
      %get3A_355 = arith.index_cast %add3A_352 : i32 to index
      %get3A_356 = tpu.vector_load %arg7[%get3A_354, %get3A_355] {strides = array<i32>} : memref<2x10112xi32, #tpu.memory_space<vmem>>, vector<16xi32>,
      %jit3A_357 = arith.constant 0 : i32
      %broadcast_in_dim3A_358 = vector.broadcast %jit3A_357 : i32 to vector<16xi32>
      %select_n3A_359 = arith.select %lt3A, %get3A_356, %broadcast_in_dim3A_358 : vector<16xi32>
      %gather3A_360 = tpu.vector_load_idx %arg6[%select_n3A_359] : memref<10000xi32, #tpu.memory_space<vmem>>[vector<16xi32>], vector<16xi32>,
      %get3A_361 = arith.constant 0 : i32
      %get3A_362 = arith.index_cast %get3A_361 : i32 to index
      %get3A_363 = arith.index_cast %add3A_352 : i32 to index
      %get3A_364 = tpu.vector_load %arg7[%get3A_362, %get3A_363] {strides = array<i32>} : memref<2x10112xi32, #tpu.memory_space<vmem>>, vector<16xi32>,
      %ge3A_365 = arith.constant 5000 : i32
      %ge3A_366 = vector.broadcast %ge3A_365 : i32 to vector<16xi32>
      %ge3A_367 = arith.cmpi sge, %get3A_364, %ge3A_366 : vector<16xi32>
      %convert_element_type3A_368 = arith.extui %ge3A_367 : vector<16xi1> to vector<16xi32>
      %mul3A_369 = arith.constant 5000 : i32
      %mul3A_370 = vector.broadcast %mul3A_369 : i32 to vector<16xi32>
      %mul3A_371 = arith.muli %mul3A_370, %convert_element_type3A_368 : vector<16xi32>
      %sub3A_372 = arith.subi %get3A_364, %mul3A_371 : vector<16xi32>
      %mul3A_373 = arith.constant 128 : i32
      %mul3A_374 = vector.broadcast %mul3A_373 : i32 to vector<16xi32>
      %mul3A_375 = arith.muli %sub3A_372, %mul3A_374 : vector<16xi32>
      %mul3A_376 = arith.constant 64 : i32
      %mul3A_377 = vector.broadcast %mul3A_376 : i32 to vector<16xi32>
      %mul3A_378 = arith.muli %mul3A_377, %convert_element_type3A_368 : vector<16xi32>
      %add3A_379 = arith.addi %mul3A_375, %mul3A_378 : vector<16xi32>
      %add3A_380 = arith.addi %add3A_379, %gather3A_360 : vector<16xi32>
      %jit3A_381 = arith.constant 0 : i32
      %broadcast_in_dim3A_382 = vector.broadcast %jit3A_381 : i32 to vector<16xi32>
      %select_n3A_383 = arith.select %lt3A, %add3A_380, %broadcast_in_dim3A_382 : vector<16xi32>
      %swap3A_384 = arith.index_cast %scan3A_207 : i32 to index
      %swap3A_385 = arith.constant 48 : index
      %swap3A_386 = tpu.vector_load %arg9[%swap3A_384, %swap3A_385] {strides = array<i32>} : memref<79x128xi32, #tpu.memory_space<vmem>>, vector<16xi32>,
      tpu.vector_store %arg9[%swap3A_384, %swap3A_385], %select_n3A_383 {strides = array<i32>} : memref<79x128xi32, #tpu.memory_space<vmem>>, vector<16xi32>,
      %get3A_387 = arith.constant 0 : i32
      %get3A_388 = arith.index_cast %scan3A_207 : i32 to index
      %get3A_389 = arith.index_cast %get3A_387 : i32 to index
      %get3A_390 = arith.constant 48 : index
      %get3A_391 = tpu.vector_load %arg8[%get3A_388, %get3A_389, %get3A_390] {strides = array<i32>} : memref<79x1x128xf32, #tpu.memory_space<vmem>>, vector<16xf32>,
      %jit3A_392 = arith.constant 0.000000e+00 : f32
      %broadcast_in_dim3A_393 = vector.broadcast %jit3A_392 : f32 to vector<16xf32>
      %select_n3A_394 = arith.select %lt3A, %get3A_391, %broadcast_in_dim3A_393 : vector<16xf32>
      %swap3A_395 = arith.index_cast %scan3A_207 : i32 to index
      %swap3A_396 = arith.constant 48 : index
      %swap3A_397 = tpu.vector_load %arg10[%swap3A_395, %swap3A_396] {strides = array<i32>} : memref<79x128xf32, #tpu.memory_space<vmem>>, vector<16xf32>,
      tpu.vector_store %arg10[%swap3A_395, %swap3A_396], %select_n3A_394 {strides = array<i32>} : memref<79x128xf32, #tpu.memory_space<vmem>>, vector<16xf32>,
      %mul3A_398 = arith.constant 128 : i32
      %mul3A_399 = arith.muli %scan3A_207, %mul3A_398 : i32
      %add3A_400 = arith.constant 64 : i32
      %add3A_401 = arith.addi %mul3A_399, %add3A_400 : i32
      %get3A_402 = arith.constant 1 : i32
      %get3A_403 = arith.index_cast %get3A_402 : i32 to index
      %get3A_404 = arith.index_cast %add3A_401 : i32 to index
      %get3A_405 = tpu.vector_load %arg7[%get3A_403, %get3A_404] {strides = array<i32>} : memref<2x10112xi32, #tpu.memory_space<vmem>>, vector<16xi32>,
      %jit3A_406 = arith.constant 0 : i32
      %broadcast_in_dim3A_407 = vector.broadcast %jit3A_406 : i32 to vector<16xi32>
      %select_n3A_408 = arith.select %lt3A, %get3A_405, %broadcast_in_dim3A_407 : vector<16xi32>
      %gather3A_409 = tpu.vector_load_idx %arg6[%select_n3A_408] : memref<10000xi32, #tpu.memory_space<vmem>>[vector<16xi32>], vector<16xi32>,
      %get3A_410 = arith.constant 0 : i32
      %get3A_411 = arith.index_cast %get3A_410 : i32 to index
      %get3A_412 = arith.index_cast %add3A_401 : i32 to index
      %get3A_413 = tpu.vector_load %arg7[%get3A_411, %get3A_412] {strides = array<i32>} : memref<2x10112xi32, #tpu.memory_space<vmem>>, vector<16xi32>,
      %ge3A_414 = arith.constant 5000 : i32
      %ge3A_415 = vector.broadcast %ge3A_414 : i32 to vector<16xi32>
      %ge3A_416 = arith.cmpi sge, %get3A_413, %ge3A_415 : vector<16xi32>
      %convert_element_type3A_417 = arith.extui %ge3A_416 : vector<16xi1> to vector<16xi32>
      %mul3A_418 = arith.constant 5000 : i32
      %mul3A_419 = vector.broadcast %mul3A_418 : i32 to vector<16xi32>
      %mul3A_420 = arith.muli %mul3A_419, %convert_element_type3A_417 : vector<16xi32>
      %sub3A_421 = arith.subi %get3A_413, %mul3A_420 : vector<16xi32>
      %mul3A_422 = arith.constant 128 : i32
      %mul3A_423 = vector.broadcast %mul3A_422 : i32 to vector<16xi32>
      %mul3A_424 = arith.muli %sub3A_421, %mul3A_423 : vector<16xi32>
      %mul3A_425 = arith.constant 64 : i32
      %mul3A_426 = vector.broadcast %mul3A_425 : i32 to vector<16xi32>
      %mul3A_427 = arith.muli %mul3A_426, %convert_element_type3A_417 : vector<16xi32>
      %add3A_428 = arith.addi %mul3A_424, %mul3A_427 : vector<16xi32>
      %add3A_429 = arith.addi %add3A_428, %gather3A_409 : vector<16xi32>
      %jit3A_430 = arith.constant 0 : i32
      %broadcast_in_dim3A_431 = vector.broadcast %jit3A_430 : i32 to vector<16xi32>
      %select_n3A_432 = arith.select %lt3A, %add3A_429, %broadcast_in_dim3A_431 : vector<16xi32>
      %swap3A_433 = arith.index_cast %scan3A_207 : i32 to index
      %swap3A_434 = arith.constant 64 : index
      %swap3A_435 = tpu.vector_load %arg9[%swap3A_433, %swap3A_434] {strides = array<i32>} : memref<79x128xi32, #tpu.memory_space<vmem>>, vector<16xi32>,
      tpu.vector_store %arg9[%swap3A_433, %swap3A_434], %select_n3A_432 {strides = array<i32>} : memref<79x128xi32, #tpu.memory_space<vmem>>, vector<16xi32>,
      %get3A_436 = arith.constant 0 : i32
      %get3A_437 = arith.index_cast %scan3A_207 : i32 to index
      %get3A_438 = arith.index_cast %get3A_436 : i32 to index
      %get3A_439 = arith.constant 64 : index
      %get3A_440 = tpu.vector_load %arg8[%get3A_437, %get3A_438, %get3A_439] {strides = array<i32>} : memref<79x1x128xf32, #tpu.memory_space<vmem>>, vector<16xf32>,
      %jit3A_441 = arith.constant 0.000000e+00 : f32
      %broadcast_in_dim3A_442 = vector.broadcast %jit3A_441 : f32 to vector<16xf32>
      %select_n3A_443 = arith.select %lt3A, %get3A_440, %broadcast_in_dim3A_442 : vector<16xf32>
      %swap3A_444 = arith.index_cast %scan3A_207 : i32 to index
      %swap3A_445 = arith.constant 64 : index
      %swap3A_446 = tpu.vector_load %arg10[%swap3A_444, %swap3A_445] {strides = array<i32>} : memref<79x128xf32, #tpu.memory_space<vmem>>, vector<16xf32>,
      tpu.vector_store %arg10[%swap3A_444, %swap3A_445], %select_n3A_443 {strides = array<i32>} : memref<79x128xf32, #tpu.memory_space<vmem>>, vector<16xf32>,
      %mul3A_447 = arith.constant 128 : i32
      %mul3A_448 = arith.muli %scan3A_207, %mul3A_447 : i32
      %add3A_449 = arith.constant 80 : i32
      %add3A_450 = arith.addi %mul3A_448, %add3A_449 : i32
      %get3A_451 = arith.constant 1 : i32
      %get3A_452 = arith.index_cast %get3A_451 : i32 to index
      %get3A_453 = arith.index_cast %add3A_450 : i32 to index
      %get3A_454 = tpu.vector_load %arg7[%get3A_452, %get3A_453] {strides = array<i32>} : memref<2x10112xi32, #tpu.memory_space<vmem>>, vector<16xi32>,
      %jit3A_455 = arith.constant 0 : i32
      %broadcast_in_dim3A_456 = vector.broadcast %jit3A_455 : i32 to vector<16xi32>
      %select_n3A_457 = arith.select %lt3A, %get3A_454, %broadcast_in_dim3A_456 : vector<16xi32>
      %gather3A_458 = tpu.vector_load_idx %arg6[%select_n3A_457] : memref<10000xi32, #tpu.memory_space<vmem>>[vector<16xi32>], vector<16xi32>,
      %get3A_459 = arith.constant 0 : i32
      %get3A_460 = arith.index_cast %get3A_459 : i32 to index
      %get3A_461 = arith.index_cast %add3A_450 : i32 to index
      %get3A_462 = tpu.vector_load %arg7[%get3A_460, %get3A_461] {strides = array<i32>} : memref<2x10112xi32, #tpu.memory_space<vmem>>, vector<16xi32>,
      %ge3A_463 = arith.constant 5000 : i32
      %ge3A_464 = vector.broadcast %ge3A_463 : i32 to vector<16xi32>
      %ge3A_465 = arith.cmpi sge, %get3A_462, %ge3A_464 : vector<16xi32>
      %convert_element_type3A_466 = arith.extui %ge3A_465 : vector<16xi1> to vector<16xi32>
      %mul3A_467 = arith.constant 5000 : i32
      %mul3A_468 = vector.broadcast %mul3A_467 : i32 to vector<16xi32>
      %mul3A_469 = arith.muli %mul3A_468, %convert_element_type3A_466 : vector<16xi32>
      %sub3A_470 = arith.subi %get3A_462, %mul3A_469 : vector<16xi32>
      %mul3A_471 = arith.constant 128 : i32
      %mul3A_472 = vector.broadcast %mul3A_471 : i32 to vector<16xi32>
      %mul3A_473 = arith.muli %sub3A_470, %mul3A_472 : vector<16xi32>
      %mul3A_474 = arith.constant 64 : i32
      %mul3A_475 = vector.broadcast %mul3A_474 : i32 to vector<16xi32>
      %mul3A_476 = arith.muli %mul3A_475, %convert_element_type3A_466 : vector<16xi32>
      %add3A_477 = arith.addi %mul3A_473, %mul3A_476 : vector<16xi32>
      %add3A_478 = arith.addi %add3A_477, %gather3A_458 : vector<16xi32>
      %jit3A_479 = arith.constant 0 : i32
      %broadcast_in_dim3A_480 = vector.broadcast %jit3A_479 : i32 to vector<16xi32>
      %select_n3A_481 = arith.select %lt3A, %add3A_478, %broadcast_in_dim3A_480 : vector<16xi32>
      %swap3A_482 = arith.index_cast %scan3A_207 : i32 to index
      %swap3A_483 = arith.constant 80 : index
      %swap3A_484 = tpu.vector_load %arg9[%swap3A_482, %swap3A_483] {strides = array<i32>} : memref<79x128xi32, #tpu.memory_space<vmem>>, vector<16xi32>,
      tpu.vector_store %arg9[%swap3A_482, %swap3A_483], %select_n3A_481 {strides = array<i32>} : memref<79x128xi32, #tpu.memory_space<vmem>>, vector<16xi32>,
      %get3A_485 = arith.constant 0 : i32
      %get3A_486 = arith.index_cast %scan3A_207 : i32 to index
      %get3A_487 = arith.index_cast %get3A_485 : i32 to index
      %get3A_488 = arith.constant 80 : index
      %get3A_489 = tpu.vector_load %arg8[%get3A_486, %get3A_487, %get3A_488] {strides = array<i32>} : memref<79x1x128xf32, #tpu.memory_space<vmem>>, vector<16xf32>,
      %jit3A_490 = arith.constant 0.000000e+00 : f32
      %broadcast_in_dim3A_491 = vector.broadcast %jit3A_490 : f32 to vector<16xf32>
      %select_n3A_492 = arith.select %lt3A, %get3A_489, %broadcast_in_dim3A_491 : vector<16xf32>
      %swap3A_493 = arith.index_cast %scan3A_207 : i32 to index
      %swap3A_494 = arith.constant 80 : index
      %swap3A_495 = tpu.vector_load %arg10[%swap3A_493, %swap3A_494] {strides = array<i32>} : memref<79x128xf32, #tpu.memory_space<vmem>>, vector<16xf32>,
      tpu.vector_store %arg10[%swap3A_493, %swap3A_494], %select_n3A_492 {strides = array<i32>} : memref<79x128xf32, #tpu.memory_space<vmem>>, vector<16xf32>,
      %mul3A_496 = arith.constant 128 : i32
      %mul3A_497 = arith.muli %scan3A_207, %mul3A_496 : i32
      %add3A_498 = arith.constant 96 : i32
      %add3A_499 = arith.addi %mul3A_497, %add3A_498 : i32
      %get3A_500 = arith.constant 1 : i32
      %get3A_501 = arith.index_cast %get3A_500 : i32 to index
      %get3A_502 = arith.index_cast %add3A_499 : i32 to index
      %get3A_503 = tpu.vector_load %arg7[%get3A_501, %get3A_502] {strides = array<i32>} : memref<2x10112xi32, #tpu.memory_space<vmem>>, vector<16xi32>,
      %jit3A_504 = arith.constant 0 : i32
      %broadcast_in_dim3A_505 = vector.broadcast %jit3A_504 : i32 to vector<16xi32>
      %select_n3A_506 = arith.select %lt3A, %get3A_503, %broadcast_in_dim3A_505 : vector<16xi32>
      %gather3A_507 = tpu.vector_load_idx %arg6[%select_n3A_506] : memref<10000xi32, #tpu.memory_space<vmem>>[vector<16xi32>], vector<16xi32>,
      %get3A_508 = arith.constant 0 : i32
      %get3A_509 = arith.index_cast %get3A_508 : i32 to index
      %get3A_510 = arith.index_cast %add3A_499 : i32 to index
      %get3A_511 = tpu.vector_load %arg7[%get3A_509, %get3A_510] {strides = array<i32>} : memref<2x10112xi32, #tpu.memory_space<vmem>>, vector<16xi32>,
      %ge3A_512 = arith.constant 5000 : i32
      %ge3A_513 = vector.broadcast %ge3A_512 : i32 to vector<16xi32>
      %ge3A_514 = arith.cmpi sge, %get3A_511, %ge3A_513 : vector<16xi32>
      %convert_element_type3A_515 = arith.extui %ge3A_514 : vector<16xi1> to vector<16xi32>
      %mul3A_516 = arith.constant 5000 : i32
      %mul3A_517 = vector.broadcast %mul3A_516 : i32 to vector<16xi32>
      %mul3A_518 = arith.muli %mul3A_517, %convert_element_type3A_515 : vector<16xi32>
      %sub3A_519 = arith.subi %get3A_511, %mul3A_518 : vector<16xi32>
      %mul3A_520 = arith.constant 128 : i32
      %mul3A_521 = vector.broadcast %mul3A_520 : i32 to vector<16xi32>
      %mul3A_522 = arith.muli %sub3A_519, %mul3A_521 : vector<16xi32>
      %mul3A_523 = arith.constant 64 : i32
      %mul3A_524 = vector.broadcast %mul3A_523 : i32 to vector<16xi32>
      %mul3A_525 = arith.muli %mul3A_524, %convert_element_type3A_515 : vector<16xi32>
      %add3A_526 = arith.addi %mul3A_522, %mul3A_525 : vector<16xi32>
      %add3A_527 = arith.addi %add3A_526, %gather3A_507 : vector<16xi32>
      %jit3A_528 = arith.constant 0 : i32
      %broadcast_in_dim3A_529 = vector.broadcast %jit3A_528 : i32 to vector<16xi32>
      %select_n3A_530 = arith.select %lt3A, %add3A_527, %broadcast_in_dim3A_529 : vector<16xi32>
      %swap3A_531 = arith.index_cast %scan3A_207 : i32 to index
      %swap3A_532 = arith.constant 96 : index
      %swap3A_533 = tpu.vector_load %arg9[%swap3A_531, %swap3A_532] {strides = array<i32>} : memref<79x128xi32, #tpu.memory_space<vmem>>, vector<16xi32>,
      tpu.vector_store %arg9[%swap3A_531, %swap3A_532], %select_n3A_530 {strides = array<i32>} : memref<79x128xi32, #tpu.memory_space<vmem>>, vector<16xi32>,
      %get3A_534 = arith.constant 0 : i32
      %get3A_535 = arith.index_cast %scan3A_207 : i32 to index
      %get3A_536 = arith.index_cast %get3A_534 : i32 to index
      %get3A_537 = arith.constant 96 : index
      %get3A_538 = tpu.vector_load %arg8[%get3A_535, %get3A_536, %get3A_537] {strides = array<i32>} : memref<79x1x128xf32, #tpu.memory_space<vmem>>, vector<16xf32>,
      %jit3A_539 = arith.constant 0.000000e+00 : f32
      %broadcast_in_dim3A_540 = vector.broadcast %jit3A_539 : f32 to vector<16xf32>
      %select_n3A_541 = arith.select %lt3A, %get3A_538, %broadcast_in_dim3A_540 : vector<16xf32>
      %swap3A_542 = arith.index_cast %scan3A_207 : i32 to index
      %swap3A_543 = arith.constant 96 : index
      %swap3A_544 = tpu.vector_load %arg10[%swap3A_542, %swap3A_543] {strides = array<i32>} : memref<79x128xf32, #tpu.memory_space<vmem>>, vector<16xf32>,
      tpu.vector_store %arg10[%swap3A_542, %swap3A_543], %select_n3A_541 {strides = array<i32>} : memref<79x128xf32, #tpu.memory_space<vmem>>, vector<16xf32>,
      %mul3A_545 = arith.constant 128 : i32
      %mul3A_546 = arith.muli %scan3A_207, %mul3A_545 : i32
      %add3A_547 = arith.constant 112 : i32
      %add3A_548 = arith.addi %mul3A_546, %add3A_547 : i32
      %get3A_549 = arith.constant 1 : i32
      %get3A_550 = arith.index_cast %get3A_549 : i32 to index
      %get3A_551 = arith.index_cast %add3A_548 : i32 to index
      %get3A_552 = tpu.vector_load %arg7[%get3A_550, %get3A_551] {strides = array<i32>} : memref<2x10112xi32, #tpu.memory_space<vmem>>, vector<16xi32>,
      %jit3A_553 = arith.constant 0 : i32
      %broadcast_in_dim3A_554 = vector.broadcast %jit3A_553 : i32 to vector<16xi32>
      %select_n3A_555 = arith.select %lt3A, %get3A_552, %broadcast_in_dim3A_554 : vector<16xi32>
      %gather3A_556 = tpu.vector_load_idx %arg6[%select_n3A_555] : memref<10000xi32, #tpu.memory_space<vmem>>[vector<16xi32>], vector<16xi32>,
      %get3A_557 = arith.constant 0 : i32
      %get3A_558 = arith.index_cast %get3A_557 : i32 to index
      %get3A_559 = arith.index_cast %add3A_548 : i32 to index
      %get3A_560 = tpu.vector_load %arg7[%get3A_558, %get3A_559] {strides = array<i32>} : memref<2x10112xi32, #tpu.memory_space<vmem>>, vector<16xi32>,
      %ge3A_561 = arith.constant 5000 : i32
      %ge3A_562 = vector.broadcast %ge3A_561 : i32 to vector<16xi32>
      %ge3A_563 = arith.cmpi sge, %get3A_560, %ge3A_562 : vector<16xi32>
      %convert_element_type3A_564 = arith.extui %ge3A_563 : vector<16xi1> to vector<16xi32>
      %mul3A_565 = arith.constant 5000 : i32
      %mul3A_566 = vector.broadcast %mul3A_565 : i32 to vector<16xi32>
      %mul3A_567 = arith.muli %mul3A_566, %convert_element_type3A_564 : vector<16xi32>
      %sub3A_568 = arith.subi %get3A_560, %mul3A_567 : vector<16xi32>
      %mul3A_569 = arith.constant 128 : i32
      %mul3A_570 = vector.broadcast %mul3A_569 : i32 to vector<16xi32>
      %mul3A_571 = arith.muli %sub3A_568, %mul3A_570 : vector<16xi32>
      %mul3A_572 = arith.constant 64 : i32
      %mul3A_573 = vector.broadcast %mul3A_572 : i32 to vector<16xi32>
      %mul3A_574 = arith.muli %mul3A_573, %convert_element_type3A_564 : vector<16xi32>
      %add3A_575 = arith.addi %mul3A_571, %mul3A_574 : vector<16xi32>
      %add3A_576 = arith.addi %add3A_575, %gather3A_556 : vector<16xi32>
      %jit3A_577 = arith.constant 0 : i32
      %broadcast_in_dim3A_578 = vector.broadcast %jit3A_577 : i32 to vector<16xi32>
      %select_n3A_579 = arith.select %lt3A, %add3A_576, %broadcast_in_dim3A_578 : vector<16xi32>
      %swap3A_580 = arith.index_cast %scan3A_207 : i32 to index
      %swap3A_581 = arith.constant 112 : index
      %swap3A_582 = tpu.vector_load %arg9[%swap3A_580, %swap3A_581] {strides = array<i32>} : memref<79x128xi32, #tpu.memory_space<vmem>>, vector<16xi32>,
      tpu.vector_store %arg9[%swap3A_580, %swap3A_581], %select_n3A_579 {strides = array<i32>} : memref<79x128xi32, #tpu.memory_space<vmem>>, vector<16xi32>,
      %get3A_583 = arith.constant 0 : i32
      %get3A_584 = arith.index_cast %scan3A_207 : i32 to index
      %get3A_585 = arith.index_cast %get3A_583 : i32 to index
      %get3A_586 = arith.constant 112 : index
      %get3A_587 = tpu.vector_load %arg8[%get3A_584, %get3A_585, %get3A_586] {strides = array<i32>} : memref<79x1x128xf32, #tpu.memory_space<vmem>>, vector<16xf32>,
      %jit3A_588 = arith.constant 0.000000e+00 : f32
      %broadcast_in_dim3A_589 = vector.broadcast %jit3A_588 : f32 to vector<16xf32>
      %select_n3A_590 = arith.select %lt3A, %get3A_587, %broadcast_in_dim3A_589 : vector<16xf32>
      %swap3A_591 = arith.index_cast %scan3A_207 : i32 to index
      %swap3A_592 = arith.constant 112 : index
      %swap3A_593 = tpu.vector_load %arg10[%swap3A_591, %swap3A_592] {strides = array<i32>} : memref<79x128xf32, #tpu.memory_space<vmem>>, vector<16xf32>,
      tpu.vector_store %arg10[%swap3A_591, %swap3A_592], %select_n3A_590 {strides = array<i32>} : memref<79x128xf32, #tpu.memory_space<vmem>>, vector<16xf32>,
    }
    %scan3A_108 = arith.constant 79 : i32
    %dma_wait3A_109 = tpu.memref_slice %arg13[%add3A_67] : memref<640000xf32, #tpu.memory_space<vmem_shared>> -> memref<8000xf32, #tpu.memory_space<vmem_shared>>
    %dma_wait3A_110 = tpu.memref_slice %arg13[%add3A_67] : memref<640000xf32, #tpu.memory_space<vmem_shared>> -> memref<8000xf32, #tpu.memory_space<vmem_shared>>
    tpu.wait_dma2 semaphore(%arg15 : memref<!tpu.dma_semaphore, #tpu.memory_space<semaphore_mem>>) src(%arg11 : memref<8000xf32, #tpu.memory_space<vmem>>) dst(%dma_wait3A_110 : memref<8000xf32, #tpu.memory_space<vmem_shared>>)
    %dma_wait3A_111 = tpu.memref_slice %arg13[%add3A_73] : memref<640000xf32, #tpu.memory_space<vmem_shared>> -> memref<8000xf32, #tpu.memory_space<vmem_shared>>
    %dma_wait3A_112 = tpu.memref_slice %arg13[%add3A_73] : memref<640000xf32, #tpu.memory_space<vmem_shared>> -> memref<8000xf32, #tpu.memory_space<vmem_shared>>
    tpu.wait_dma2 semaphore(%arg15 : memref<!tpu.dma_semaphore, #tpu.memory_space<semaphore_mem>>) src(%arg11 : memref<8000xf32, #tpu.memory_space<vmem>>) dst(%dma_wait3A_112 : memref<8000xf32, #tpu.memory_space<vmem_shared>>)
    %dma_wait3A_113 = tpu.memref_slice %arg13[%add3A_79] : memref<640000xf32, #tpu.memory_space<vmem_shared>> -> memref<8000xf32, #tpu.memory_space<vmem_shared>>
    %dma_wait3A_114 = tpu.memref_slice %arg13[%add3A_79] : memref<640000xf32, #tpu.memory_space<vmem_shared>> -> memref<8000xf32, #tpu.memory_space<vmem_shared>>
    tpu.wait_dma2 semaphore(%arg15 : memref<!tpu.dma_semaphore, #tpu.memory_space<semaphore_mem>>) src(%arg11 : memref<8000xf32, #tpu.memory_space<vmem>>) dst(%dma_wait3A_114 : memref<8000xf32, #tpu.memory_space<vmem_shared>>)
    %dma_wait3A_115 = tpu.memref_slice %arg13[%add3A_85] : memref<640000xf32, #tpu.memory_space<vmem_shared>> -> memref<8000xf32, #tpu.memory_space<vmem_shared>>
    %dma_wait3A_116 = tpu.memref_slice %arg13[%add3A_85] : memref<640000xf32, #tpu.memory_space<vmem_shared>> -> memref<8000xf32, #tpu.memory_space<vmem_shared>>
    tpu.wait_dma2 semaphore(%arg15 : memref<!tpu.dma_semaphore, #tpu.memory_space<semaphore_mem>>) src(%arg11 : memref<8000xf32, #tpu.memory_space<vmem>>) dst(%dma_wait3A_116 : memref<8000xf32, #tpu.memory_space<vmem_shared>>)
    %dma_wait3A_117 = tpu.memref_slice %arg13[%add3A_91] : memref<640000xf32, #tpu.memory_space<vmem_shared>> -> memref<8000xf32, #tpu.memory_space<vmem_shared>>
    %dma_wait3A_118 = tpu.memref_slice %arg13[%add3A_91] : memref<640000xf32, #tpu.memory_space<vmem_shared>> -> memref<8000xf32, #tpu.memory_space<vmem_shared>>
    tpu.wait_dma2 semaphore(%arg15 : memref<!tpu.dma_semaphore, #tpu.memory_space<semaphore_mem>>) src(%arg11 : memref<8000xf32, #tpu.memory_space<vmem>>) dst(%dma_wait3A_118 : memref<8000xf32, #tpu.memory_space<vmem_shared>>)
    %barrier3A = arith.constant 0 : index
    tpu.barrier barrier_id(%barrier3A)
    %scan3A_119 = arith.constant 0 : i32
    %scan3A_120 = arith.constant 0 : i32
    %scan3A_121 = arith.constant 79 : i32
    %scan3A_122 = arith.addi %scan3A_120, %scan3A_121 : i32
    %scan3A_123 = arith.constant 1 : i32
    scf.for %scan3A_207 = %scan3A_120 to %scan3A_122 step %scan3A_123  : i32 {
      %dma_start3A_208 = arith.constant 0 : i32
      %dma_start3A_209 = tpu.memref_slice %arg10[%scan3A_207, %dma_start3A_208] : memref<79x128xf32, #tpu.memory_space<vmem>> -> memref<1x128xf32, #tpu.memory_space<vmem>>
      %dma_start3A_210 = tpu.memref_squeeze %dma_start3A_209 : memref<1x128xf32, #tpu.memory_space<vmem>> -> memref<128xf32, #tpu.memory_space<vmem>>
      %dma_start3A_211 = arith.constant 0 : i32
      %dma_start3A_212 = tpu.memref_slice %arg9[%scan3A_207, %dma_start3A_211] : memref<79x128xi32, #tpu.memory_space<vmem>> -> memref<1x128xi32, #tpu.memory_space<vmem>>
      %dma_start3A_213 = tpu.memref_squeeze %dma_start3A_212 : memref<1x128xi32, #tpu.memory_space<vmem>> -> memref<128xi32, #tpu.memory_space<vmem>>
      %dma_start3A_214 = arith.constant 0 : i32
      %dma_start3A_215 = tpu.memref_slice %arg13[%dma_start3A_214] : memref<640000xf32, #tpu.memory_space<vmem_shared>> -> memref<640000xf32, #tpu.memory_space<vmem_shared>>
      tpu.enqueue_indirect_dma source(%dma_start3A_210 : memref<128xf32, #tpu.memory_space<vmem>>) target(%dma_start3A_215 : memref<640000xf32, #tpu.memory_space<vmem_shared>>) offsets(%dma_start3A_213 : memref<128xi32, #tpu.memory_space<vmem>>) semaphore(%arg16 : memref<!tpu.dma_semaphore, #tpu.memory_space<semaphore_mem>>) {add = true}
    }
    %scan3A_124 = arith.constant 79 : i32
    %scan3A_125 = arith.constant 0 : i32
    %scan3A_126 = arith.constant 0 : i32
    %scan3A_127 = arith.constant 79 : i32
    %scan3A_128 = arith.addi %scan3A_126, %scan3A_127 : i32
    %scan3A_129 = arith.constant 1 : i32
    scf.for %scan3A_207 = %scan3A_126 to %scan3A_128 step %scan3A_129  : i32 {
      %dma_wait3A_208 = arith.constant 0 : i32
      %dma_wait3A_209 = tpu.memref_slice %arg10[%scan3A_207, %dma_wait3A_208] : memref<79x128xf32, #tpu.memory_space<vmem>> -> memref<1x128xf32, #tpu.memory_space<vmem>>
      %dma_wait3A_210 = tpu.memref_squeeze %dma_wait3A_209 : memref<1x128xf32, #tpu.memory_space<vmem>> -> memref<128xf32, #tpu.memory_space<vmem>>
      %dma_wait3A_211 = arith.constant 0 : i32
      %dma_wait3A_212 = tpu.memref_slice %arg9[%scan3A_207, %dma_wait3A_211] : memref<79x128xi32, #tpu.memory_space<vmem>> -> memref<1x128xi32, #tpu.memory_space<vmem>>
      %dma_wait3A_213 = tpu.memref_squeeze %dma_wait3A_212 : memref<1x128xi32, #tpu.memory_space<vmem>> -> memref<128xi32, #tpu.memory_space<vmem>>
      %dma_wait3A_214 = arith.constant 0 : i32
      %dma_wait3A_215 = tpu.memref_slice %arg13[%dma_wait3A_214] : memref<640000xf32, #tpu.memory_space<vmem_shared>> -> memref<640000xf32, #tpu.memory_space<vmem_shared>>
      tpu.wait_indirect_dma semaphore(%arg16 : memref<!tpu.dma_semaphore, #tpu.memory_space<semaphore_mem>>) src(%dma_wait3A_210 : memref<128xf32, #tpu.memory_space<vmem>>) dst(%dma_wait3A_215 : memref<640000xf32, #tpu.memory_space<vmem_shared>>)
    }
    %scan3A_130 = arith.constant 79 : i32
    %barrier3A_131 = arith.constant 0 : index
    tpu.barrier barrier_id(%barrier3A_131)
    %mul3A_132 = arith.constant 40000 : i32
    %mul3A_133 = arith.muli %arg1, %mul3A_132 : i32
    %add3A_134 = arith.constant 0 : i32
    %add3A_135 = arith.addi %mul3A_133, %add3A_134 : i32
    "tpu.region"() ({
      %run_scoped3A = tpu.sem_alloc : memref<!tpu.dma_semaphore, #tpu.memory_space<semaphore_mem>>
      %dma_start3A_207 = tpu.memref_slice %arg13[%add3A_135] : memref<640000xf32, #tpu.memory_space<vmem_shared>> -> memref<8000xf32, #tpu.memory_space<vmem_shared>>
      %dma_start3A_208 = tpu.memref_slice %arg13[%add3A_135] : memref<640000xf32, #tpu.memory_space<vmem_shared>> -> memref<8000xf32, #tpu.memory_space<vmem_shared>>
      tpu.enqueue_dma source(%dma_start3A_208 : memref<8000xf32, #tpu.memory_space<vmem_shared>>) target(%arg11 : memref<8000xf32, #tpu.memory_space<vmem>>) target_semaphore(%run_scoped3A : memref<!tpu.dma_semaphore, #tpu.memory_space<semaphore_mem>>)
      %dma_wait3A_209 = tpu.memref_slice %arg13[%add3A_135] : memref<640000xf32, #tpu.memory_space<vmem_shared>> -> memref<8000xf32, #tpu.memory_space<vmem_shared>>
      %dma_wait3A_210 = tpu.memref_slice %arg13[%add3A_135] : memref<640000xf32, #tpu.memory_space<vmem_shared>> -> memref<8000xf32, #tpu.memory_space<vmem_shared>>
      tpu.wait_dma2 semaphore(%run_scoped3A : memref<!tpu.dma_semaphore, #tpu.memory_space<semaphore_mem>>) src(%dma_wait3A_210 : memref<8000xf32, #tpu.memory_space<vmem_shared>>) dst(%arg11 : memref<8000xf32, #tpu.memory_space<vmem>>)
      tpu.yield
    }) : () -> ()
    %mul3A_136 = arith.constant 640000 : i32
    %mul3A_137 = arith.muli %arg0, %mul3A_136 : i32
    %mul3A_138 = arith.constant 40000 : i32
    %mul3A_139 = arith.muli %arg1, %mul3A_138 : i32
    %add3A_140 = arith.addi %mul3A_137, %mul3A_139 : i32
    %add3A_141 = arith.constant 0 : i32
    %add3A_142 = arith.addi %add3A_140, %add3A_141 : i32
    %dma_start3A_143 = tpu.memref_slice %arg5[%add3A_142] : memref<1280000xf32, #tpu.memory_space<hbm>> -> memref<8000xf32, #tpu.memory_space<hbm>>
    %dma_start3A_144 = tpu.memref_slice %arg5[%add3A_142] : memref<1280000xf32, #tpu.memory_space<hbm>> -> memref<8000xf32, #tpu.memory_space<hbm>>
    tpu.enqueue_dma source(%arg11 : memref<8000xf32, #tpu.memory_space<vmem>>) target(%dma_start3A_144 : memref<8000xf32, #tpu.memory_space<hbm>>) target_semaphore(%arg17 : memref<!tpu.dma_semaphore, #tpu.memory_space<semaphore_mem>>)
    %mul3A_145 = arith.constant 40000 : i32
    %mul3A_146 = arith.muli %arg1, %mul3A_145 : i32
    %add3A_147 = arith.constant 8000 : i32
    %add3A_148 = arith.addi %mul3A_146, %add3A_147 : i32
    "tpu.region"() ({
      %run_scoped3A = tpu.sem_alloc : memref<!tpu.dma_semaphore, #tpu.memory_space<semaphore_mem>>
      %dma_start3A_207 = tpu.memref_slice %arg13[%add3A_148] : memref<640000xf32, #tpu.memory_space<vmem_shared>> -> memref<8000xf32, #tpu.memory_space<vmem_shared>>
      %dma_start3A_208 = tpu.memref_slice %arg13[%add3A_148] : memref<640000xf32, #tpu.memory_space<vmem_shared>> -> memref<8000xf32, #tpu.memory_space<vmem_shared>>
      tpu.enqueue_dma source(%dma_start3A_208 : memref<8000xf32, #tpu.memory_space<vmem_shared>>) target(%arg12 : memref<8000xf32, #tpu.memory_space<vmem>>) target_semaphore(%run_scoped3A : memref<!tpu.dma_semaphore, #tpu.memory_space<semaphore_mem>>)
      %dma_wait3A_209 = tpu.memref_slice %arg13[%add3A_148] : memref<640000xf32, #tpu.memory_space<vmem_shared>> -> memref<8000xf32, #tpu.memory_space<vmem_shared>>
      %dma_wait3A_210 = tpu.memref_slice %arg13[%add3A_148] : memref<640000xf32, #tpu.memory_space<vmem_shared>> -> memref<8000xf32, #tpu.memory_space<vmem_shared>>
      tpu.wait_dma2 semaphore(%run_scoped3A : memref<!tpu.dma_semaphore, #tpu.memory_space<semaphore_mem>>) src(%dma_wait3A_210 : memref<8000xf32, #tpu.memory_space<vmem_shared>>) dst(%arg12 : memref<8000xf32, #tpu.memory_space<vmem>>)
      tpu.yield
    }) : () -> ()
    %mul3A_149 = arith.constant 640000 : i32
    %mul3A_150 = arith.muli %arg0, %mul3A_149 : i32
    %mul3A_151 = arith.constant 40000 : i32
    %mul3A_152 = arith.muli %arg1, %mul3A_151 : i32
    %add3A_153 = arith.addi %mul3A_150, %mul3A_152 : i32
    %add3A_154 = arith.constant 8000 : i32
    %add3A_155 = arith.addi %add3A_153, %add3A_154 : i32
    %dma_start3A_156 = tpu.memref_slice %arg5[%add3A_155] : memref<1280000xf32, #tpu.memory_space<hbm>> -> memref<8000xf32, #tpu.memory_space<hbm>>
    %dma_start3A_157 = tpu.memref_slice %arg5[%add3A_155] : memref<1280000xf32, #tpu.memory_space<hbm>> -> memref<8000xf32, #tpu.memory_space<hbm>>
    tpu.enqueue_dma source(%arg12 : memref<8000xf32, #tpu.memory_space<vmem>>) target(%dma_start3A_157 : memref<8000xf32, #tpu.memory_space<hbm>>) target_semaphore(%arg17 : memref<!tpu.dma_semaphore, #tpu.memory_space<semaphore_mem>>)
    %dma_wait3A_158 = tpu.memref_slice %arg5[%add3A_142] : memref<1280000xf32, #tpu.memory_space<hbm>> -> memref<8000xf32, #tpu.memory_space<hbm>>
    %dma_wait3A_159 = tpu.memref_slice %arg5[%add3A_142] : memref<1280000xf32, #tpu.memory_space<hbm>> -> memref<8000xf32, #tpu.memory_space<hbm>>
    tpu.wait_dma2 semaphore(%arg17 : memref<!tpu.dma_semaphore, #tpu.memory_space<semaphore_mem>>) src(%arg11 : memref<8000xf32, #tpu.memory_space<vmem>>) dst(%dma_wait3A_159 : memref<8000xf32, #tpu.memory_space<hbm>>)
    %mul3A_160 = arith.constant 40000 : i32
    %mul3A_161 = arith.muli %arg1, %mul3A_160 : i32
    %add3A_162 = arith.constant 16000 : i32
    %add3A_163 = arith.addi %mul3A_161, %add3A_162 : i32
    "tpu.region"() ({
      %run_scoped3A = tpu.sem_alloc : memref<!tpu.dma_semaphore, #tpu.memory_space<semaphore_mem>>
      %dma_start3A_207 = tpu.memref_slice %arg13[%add3A_163] : memref<640000xf32, #tpu.memory_space<vmem_shared>> -> memref<8000xf32, #tpu.memory_space<vmem_shared>>
      %dma_start3A_208 = tpu.memref_slice %arg13[%add3A_163] : memref<640000xf32, #tpu.memory_space<vmem_shared>> -> memref<8000xf32, #tpu.memory_space<vmem_shared>>
      tpu.enqueue_dma source(%dma_start3A_208 : memref<8000xf32, #tpu.memory_space<vmem_shared>>) target(%arg11 : memref<8000xf32, #tpu.memory_space<vmem>>) target_semaphore(%run_scoped3A : memref<!tpu.dma_semaphore, #tpu.memory_space<semaphore_mem>>)
      %dma_wait3A_209 = tpu.memref_slice %arg13[%add3A_163] : memref<640000xf32, #tpu.memory_space<vmem_shared>> -> memref<8000xf32, #tpu.memory_space<vmem_shared>>
      %dma_wait3A_210 = tpu.memref_slice %arg13[%add3A_163] : memref<640000xf32, #tpu.memory_space<vmem_shared>> -> memref<8000xf32, #tpu.memory_space<vmem_shared>>
      tpu.wait_dma2 semaphore(%run_scoped3A : memref<!tpu.dma_semaphore, #tpu.memory_space<semaphore_mem>>) src(%dma_wait3A_210 : memref<8000xf32, #tpu.memory_space<vmem_shared>>) dst(%arg11 : memref<8000xf32, #tpu.memory_space<vmem>>)
      tpu.yield
    }) : () -> ()
    %mul3A_164 = arith.constant 640000 : i32
    %mul3A_165 = arith.muli %arg0, %mul3A_164 : i32
    %mul3A_166 = arith.constant 40000 : i32
    %mul3A_167 = arith.muli %arg1, %mul3A_166 : i32
    %add3A_168 = arith.addi %mul3A_165, %mul3A_167 : i32
    %add3A_169 = arith.constant 16000 : i32
    %add3A_170 = arith.addi %add3A_168, %add3A_169 : i32
    %dma_start3A_171 = tpu.memref_slice %arg5[%add3A_170] : memref<1280000xf32, #tpu.memory_space<hbm>> -> memref<8000xf32, #tpu.memory_space<hbm>>
    %dma_start3A_172 = tpu.memref_slice %arg5[%add3A_170] : memref<1280000xf32, #tpu.memory_space<hbm>> -> memref<8000xf32, #tpu.memory_space<hbm>>
    tpu.enqueue_dma source(%arg11 : memref<8000xf32, #tpu.memory_space<vmem>>) target(%dma_start3A_172 : memref<8000xf32, #tpu.memory_space<hbm>>) target_semaphore(%arg17 : memref<!tpu.dma_semaphore, #tpu.memory_space<semaphore_mem>>)
    %dma_wait3A_173 = tpu.memref_slice %arg5[%add3A_155] : memref<1280000xf32, #tpu.memory_space<hbm>> -> memref<8000xf32, #tpu.memory_space<hbm>>
    %dma_wait3A_174 = tpu.memref_slice %arg5[%add3A_155] : memref<1280000xf32, #tpu.memory_space<hbm>> -> memref<8000xf32, #tpu.memory_space<hbm>>
    tpu.wait_dma2 semaphore(%arg17 : memref<!tpu.dma_semaphore, #tpu.memory_space<semaphore_mem>>) src(%arg12 : memref<8000xf32, #tpu.memory_space<vmem>>) dst(%dma_wait3A_174 : memref<8000xf32, #tpu.memory_space<hbm>>)
    %mul3A_175 = arith.constant 40000 : i32
    %mul3A_176 = arith.muli %arg1, %mul3A_175 : i32
    %add3A_177 = arith.constant 24000 : i32
    %add3A_178 = arith.addi %mul3A_176, %add3A_177 : i32
    "tpu.region"() ({
      %run_scoped3A = tpu.sem_alloc : memref<!tpu.dma_semaphore, #tpu.memory_space<semaphore_mem>>
      %dma_start3A_207 = tpu.memref_slice %arg13[%add3A_178] : memref<640000xf32, #tpu.memory_space<vmem_shared>> -> memref<8000xf32, #tpu.memory_space<vmem_shared>>
      %dma_start3A_208 = tpu.memref_slice %arg13[%add3A_178] : memref<640000xf32, #tpu.memory_space<vmem_shared>> -> memref<8000xf32, #tpu.memory_space<vmem_shared>>
      tpu.enqueue_dma source(%dma_start3A_208 : memref<8000xf32, #tpu.memory_space<vmem_shared>>) target(%arg12 : memref<8000xf32, #tpu.memory_space<vmem>>) target_semaphore(%run_scoped3A : memref<!tpu.dma_semaphore, #tpu.memory_space<semaphore_mem>>)
      %dma_wait3A_209 = tpu.memref_slice %arg13[%add3A_178] : memref<640000xf32, #tpu.memory_space<vmem_shared>> -> memref<8000xf32, #tpu.memory_space<vmem_shared>>
      %dma_wait3A_210 = tpu.memref_slice %arg13[%add3A_178] : memref<640000xf32, #tpu.memory_space<vmem_shared>> -> memref<8000xf32, #tpu.memory_space<vmem_shared>>
      tpu.wait_dma2 semaphore(%run_scoped3A : memref<!tpu.dma_semaphore, #tpu.memory_space<semaphore_mem>>) src(%dma_wait3A_210 : memref<8000xf32, #tpu.memory_space<vmem_shared>>) dst(%arg12 : memref<8000xf32, #tpu.memory_space<vmem>>)
      tpu.yield
    }) : () -> ()
    %mul3A_179 = arith.constant 640000 : i32
    %mul3A_180 = arith.muli %arg0, %mul3A_179 : i32
    %mul3A_181 = arith.constant 40000 : i32
    %mul3A_182 = arith.muli %arg1, %mul3A_181 : i32
    %add3A_183 = arith.addi %mul3A_180, %mul3A_182 : i32
    %add3A_184 = arith.constant 24000 : i32
    %add3A_185 = arith.addi %add3A_183, %add3A_184 : i32
    %dma_start3A_186 = tpu.memref_slice %arg5[%add3A_185] : memref<1280000xf32, #tpu.memory_space<hbm>> -> memref<8000xf32, #tpu.memory_space<hbm>>
    %dma_start3A_187 = tpu.memref_slice %arg5[%add3A_185] : memref<1280000xf32, #tpu.memory_space<hbm>> -> memref<8000xf32, #tpu.memory_space<hbm>>
    tpu.enqueue_dma source(%arg12 : memref<8000xf32, #tpu.memory_space<vmem>>) target(%dma_start3A_187 : memref<8000xf32, #tpu.memory_space<hbm>>) target_semaphore(%arg17 : memref<!tpu.dma_semaphore, #tpu.memory_space<semaphore_mem>>)
    %dma_wait3A_188 = tpu.memref_slice %arg5[%add3A_170] : memref<1280000xf32, #tpu.memory_space<hbm>> -> memref<8000xf32, #tpu.memory_space<hbm>>
    %dma_wait3A_189 = tpu.memref_slice %arg5[%add3A_170] : memref<1280000xf32, #tpu.memory_space<hbm>> -> memref<8000xf32, #tpu.memory_space<hbm>>
    tpu.wait_dma2 semaphore(%arg17 : memref<!tpu.dma_semaphore, #tpu.memory_space<semaphore_mem>>) src(%arg11 : memref<8000xf32, #tpu.memory_space<vmem>>) dst(%dma_wait3A_189 : memref<8000xf32, #tpu.memory_space<hbm>>)
    %mul3A_190 = arith.constant 40000 : i32
    %mul3A_191 = arith.muli %arg1, %mul3A_190 : i32
    %add3A_192 = arith.constant 32000 : i32
    %add3A_193 = arith.addi %mul3A_191, %add3A_192 : i32
    "tpu.region"() ({
      %run_scoped3A = tpu.sem_alloc : memref<!tpu.dma_semaphore, #tpu.memory_space<semaphore_mem>>
      %dma_start3A_207 = tpu.memref_slice %arg13[%add3A_193] : memref<640000xf32, #tpu.memory_space<vmem_shared>> -> memref<8000xf32, #tpu.memory_space<vmem_shared>>
      %dma_start3A_208 = tpu.memref_slice %arg13[%add3A_193] : memref<640000xf32, #tpu.memory_space<vmem_shared>> -> memref<8000xf32, #tpu.memory_space<vmem_shared>>
      tpu.enqueue_dma source(%dma_start3A_208 : memref<8000xf32, #tpu.memory_space<vmem_shared>>) target(%arg11 : memref<8000xf32, #tpu.memory_space<vmem>>) target_semaphore(%run_scoped3A : memref<!tpu.dma_semaphore, #tpu.memory_space<semaphore_mem>>)
      %dma_wait3A_209 = tpu.memref_slice %arg13[%add3A_193] : memref<640000xf32, #tpu.memory_space<vmem_shared>> -> memref<8000xf32, #tpu.memory_space<vmem_shared>>
      %dma_wait3A_210 = tpu.memref_slice %arg13[%add3A_193] : memref<640000xf32, #tpu.memory_space<vmem_shared>> -> memref<8000xf32, #tpu.memory_space<vmem_shared>>
      tpu.wait_dma2 semaphore(%run_scoped3A : memref<!tpu.dma_semaphore, #tpu.memory_space<semaphore_mem>>) src(%dma_wait3A_210 : memref<8000xf32, #tpu.memory_space<vmem_shared>>) dst(%arg11 : memref<8000xf32, #tpu.memory_space<vmem>>)
      tpu.yield
    }) : () -> ()
    %mul3A_194 = arith.constant 640000 : i32
    %mul3A_195 = arith.muli %arg0, %mul3A_194 : i32
    %mul3A_196 = arith.constant 40000 : i32
    %mul3A_197 = arith.muli %arg1, %mul3A_196 : i32
    %add3A_198 = arith.addi %mul3A_195, %mul3A_197 : i32
    %add3A_199 = arith.constant 32000 : i32
    %add3A_200 = arith.addi %add3A_198, %add3A_199 : i32
    %dma_start3A_201 = tpu.memref_slice %arg5[%add3A_200] : memref<1280000xf32, #tpu.memory_space<hbm>> -> memref<8000xf32, #tpu.memory_space<hbm>>
    %dma_start3A_202 = tpu.memref_slice %arg5[%add3A_200] : memref<1280000xf32, #tpu.memory_space<hbm>> -> memref<8000xf32, #tpu.memory_space<hbm>>
    tpu.enqueue_dma source(%arg11 : memref<8000xf32, #tpu.memory_space<vmem>>) target(%dma_start3A_202 : memref<8000xf32, #tpu.memory_space<hbm>>) target_semaphore(%arg17 : memref<!tpu.dma_semaphore, #tpu.memory_space<semaphore_mem>>)
    %dma_wait3A_203 = tpu.memref_slice %arg5[%add3A_185] : memref<1280000xf32, #tpu.memory_space<hbm>> -> memref<8000xf32, #tpu.memory_space<hbm>>
    %dma_wait3A_204 = tpu.memref_slice %arg5[%add3A_185] : memref<1280000xf32, #tpu.memory_space<hbm>> -> memref<8000xf32, #tpu.memory_space<hbm>>
    tpu.wait_dma2 semaphore(%arg17 : memref<!tpu.dma_semaphore, #tpu.memory_space<semaphore_mem>>) src(%arg12 : memref<8000xf32, #tpu.memory_space<vmem>>) dst(%dma_wait3A_204 : memref<8000xf32, #tpu.memory_space<hbm>>)
    %dma_wait3A_205 = tpu.memref_slice %arg5[%add3A_200] : memref<1280000xf32, #tpu.memory_space<hbm>> -> memref<8000xf32, #tpu.memory_space<hbm>>
    %dma_wait3A_206 = tpu.memref_slice %arg5[%add3A_200] : memref<1280000xf32, #tpu.memory_space<hbm>> -> memref<8000xf32, #tpu.memory_space<hbm>>
    tpu.wait_dma2 semaphore(%arg17 : memref<!tpu.dma_semaphore, #tpu.memory_space<semaphore_mem>>) src(%arg11 : memref<8000xf32, #tpu.memory_space<vmem>>) dst(%dma_wait3A_206 : memref<8000xf32, #tpu.memory_space<hbm>>)
    return
  }
}

module attributes {stable_mosaic.version = 14 : i64} {
  func.func @_tc_body(%arg0: i32, %arg1: memref<2x1000x128xf32, #tpu.memory_space<vmem>>, %arg2: memref<1000x128xf32, #tpu.memory_space<vmem>>, %arg3: memref<1000x128xf32, #tpu.memory_space<vmem>>, %arg4: memref<1x1x2000xi32, #tpu.memory_space<vmem>>, %arg5: memref<128x256xf32, #tpu.memory_space<vmem>>, %arg6: memref<1x256xf32, #tpu.memory_space<vmem>>, %arg7: memref<1x256xf32, #tpu.memory_space<vmem>>, %arg8: memref<1x256xf32, #tpu.memory_space<vmem>>, %arg9: memref<256x256xf32, #tpu.memory_space<vmem>>, %arg10: memref<1x256xf32, #tpu.memory_space<vmem>>, %arg11: memref<1x256xf32, #tpu.memory_space<vmem>>, %arg12: memref<1x256xf32, #tpu.memory_space<vmem>>, %arg13: memref<256x256xf32, #tpu.memory_space<vmem>>, %arg14: memref<1x256xf32, #tpu.memory_space<vmem>>, %arg15: memref<1x256xf32, #tpu.memory_space<vmem>>, %arg16: memref<1x256xf32, #tpu.memory_space<vmem>>, %arg17: memref<256x256xf32, #tpu.memory_space<vmem>>, %arg18: memref<1x256xf32, #tpu.memory_space<vmem>>, %arg19: memref<1x256xf32, #tpu.memory_space<vmem>>, %arg20: memref<1x256xf32, #tpu.memory_space<vmem>>, %arg21: memref<1x256xf32, #tpu.memory_space<vmem>>, %arg22: memref<1x1xf32, #tpu.memory_space<vmem>>, %arg23: memref<1x64xf32, #tpu.memory_space<vmem>>, %arg24: memref<64x128xf32, #tpu.memory_space<vmem>>, %arg25: memref<64x1xf32, #tpu.memory_space<vmem>>) attributes {dimension_semantics = [#tpu.dimension_semantics<arbitrary>], iteration_bounds = array<i64: 5>, scalar_prefetch = 0 : i64, scratch_operands = 2 : i64, tpu.core_type = #tpu.core_type<tc>, window_params = [{transform_indices = @transform_0, window_bounds = array<i64: 2, 1000, 128>}, {transform_indices = @transform_1, window_bounds = array<i64: 1000, 128>}, {transform_indices = @transform_2, window_bounds = array<i64: 1000, 128>}, {transform_indices = @transform_3, window_bounds = array<i64: 1, 1, 2000>}, {pipeline_mode = #tpu.pipeline_mode<synchronous>, transform_indices = @transform_4, window_bounds = array<i64: 128, 256>}, {pipeline_mode = #tpu.pipeline_mode<synchronous>, transform_indices = @transform_5, window_bounds = array<i64: 1, 256>}, {pipeline_mode = #tpu.pipeline_mode<synchronous>, transform_indices = @transform_6, window_bounds = array<i64: 1, 256>}, {pipeline_mode = #tpu.pipeline_mode<synchronous>, transform_indices = @transform_7, window_bounds = array<i64: 1, 256>}, {pipeline_mode = #tpu.pipeline_mode<synchronous>, transform_indices = @transform_8, window_bounds = array<i64: 256, 256>}, {pipeline_mode = #tpu.pipeline_mode<synchronous>, transform_indices = @transform_9, window_bounds = array<i64: 1, 256>}, {pipeline_mode = #tpu.pipeline_mode<synchronous>, transform_indices = @transform_10, window_bounds = array<i64: 1, 256>}, {pipeline_mode = #tpu.pipeline_mode<synchronous>, transform_indices = @transform_11, window_bounds = array<i64: 1, 256>}, {pipeline_mode = #tpu.pipeline_mode<synchronous>, transform_indices = @transform_12, window_bounds = array<i64: 256, 256>}, {pipeline_mode = #tpu.pipeline_mode<synchronous>, transform_indices = @transform_13, window_bounds = array<i64: 1, 256>}, {pipeline_mode = #tpu.pipeline_mode<synchronous>, transform_indices = @transform_14, window_bounds = array<i64: 1, 256>}, {pipeline_mode = #tpu.pipeline_mode<synchronous>, transform_indices = @transform_15, window_bounds = array<i64: 1, 256>}, {pipeline_mode = #tpu.pipeline_mode<synchronous>, transform_indices = @transform_16, window_bounds = array<i64: 256, 256>}, {pipeline_mode = #tpu.pipeline_mode<synchronous>, transform_indices = @transform_17, window_bounds = array<i64: 1, 256>}, {pipeline_mode = #tpu.pipeline_mode<synchronous>, transform_indices = @transform_18, window_bounds = array<i64: 1, 256>}, {pipeline_mode = #tpu.pipeline_mode<synchronous>, transform_indices = @transform_19, window_bounds = array<i64: 1, 256>}, {pipeline_mode = #tpu.pipeline_mode<synchronous>, transform_indices = @transform_20, window_bounds = array<i64: 1, 256>}, {pipeline_mode = #tpu.pipeline_mode<synchronous>, transform_indices = @transform_21, window_bounds = array<i64: 1, 1>}, {pipeline_mode = #tpu.pipeline_mode<synchronous>, transform_indices = @transform_22, window_bounds = array<i64: 1, 64>}]} {
    %get3A = arith.constant 0 : index
    %get3A_0 = arith.constant 0 : index
    %get3A_1 = arith.constant 0 : index
    %get3A_2 = vector.load %arg1[%get3A, %get3A_0, %get3A_1] : memref<2x1000x128xf32, #tpu.memory_space<vmem>>, vector<1x1000x128xf32>
    %get3A_3 = vector.shape_cast %get3A_2 : vector<1x1000x128xf32> to vector<1000x128xf32>
    %get3A_4 = arith.constant 1 : index
    %get3A_5 = arith.constant 0 : index
    %get3A_6 = arith.constant 0 : index
    %get3A_7 = vector.load %arg1[%get3A_4, %get3A_5, %get3A_6] : memref<2x1000x128xf32, #tpu.memory_space<vmem>>, vector<1x1000x128xf32>
    %get3A_8 = vector.shape_cast %get3A_7 : vector<1x1000x128xf32> to vector<1000x128xf32>
    %add3A = arith.addf %get3A_3, %get3A_8 : vector<1000x128xf32>
    %get3A_9 = arith.constant 0 : index
    %get3A_10 = arith.constant 0 : index
    %get3A_11 = vector.load %arg2[%get3A_9, %get3A_10] : memref<1000x128xf32, #tpu.memory_space<vmem>>, vector<1000x128xf32>
    %dot_general3A = arith.constant dense<0.000000e+00> : vector<128x128xf32>
    %dot_general3A_12 = tpu.matmul %add3A, %get3A_11, %dot_general3A {dimension_numbers = #tpu.dot_dimension_numbers<[0], [0], [1], [1], [0, 1, 1, 1], [], []>, precision = #tpu.contract_precision<fp32>, transpose_lhs_hint = false} : vector<1000x128xf32>, vector<1000x128xf32>, vector<128x128xf32> -> vector<128x128xf32>
    %get3A_13 = arith.constant 0 : index
    %get3A_14 = arith.constant 0 : index
    %get3A_15 = vector.load %arg3[%get3A_13, %get3A_14] : memref<1000x128xf32, #tpu.memory_space<vmem>>, vector<1000x128xf32>
    %dot_general3A_16 = arith.constant dense<0.000000e+00> : vector<128x128xf32>
    %dot_general3A_17 = tpu.matmul %add3A, %get3A_15, %dot_general3A_16 {dimension_numbers = #tpu.dot_dimension_numbers<[0], [0], [1], [1], [0, 1, 1, 1], [], []>, precision = #tpu.contract_precision<fp32>, transpose_lhs_hint = false} : vector<1000x128xf32>, vector<1000x128xf32>, vector<128x128xf32> -> vector<128x128xf32>
    %slice3A = vector.extract_strided_slice %dot_general3A_12 {offsets = [0, 0], sizes = [64, 128], strides = [1, 1]} : vector<128x128xf32> to vector<64x128xf32>
    %slice3A_18 = vector.extract_strided_slice %dot_general3A_17 {offsets = [64, 0], sizes = [64, 128], strides = [1, 1]} : vector<128x128xf32> to vector<64x128xf32>
    %add3A_19 = arith.addf %slice3A, %slice3A_18 : vector<64x128xf32>
    %iota3A = tpu.iota {dimensions = array<i32: 0>} : vector<64x2000xi32>
    %get3A_20 = arith.constant 0 : index
    %get3A_21 = arith.constant 0 : index
    %get3A_22 = arith.constant 0 : index
    %get3A_23 = vector.load %arg4[%get3A_20, %get3A_21, %get3A_22] : memref<1x1x2000xi32, #tpu.memory_space<vmem>>, vector<1x1x2000xi32>
    %get3A_24 = vector.shape_cast %get3A_23 : vector<1x1x2000xi32> to vector<1x2000xi32>
    %eq3A = vector.broadcast %get3A_24 : vector<1x2000xi32> to vector<64x2000xi32>
    %eq3A_25 = arith.cmpi eq, %iota3A, %eq3A : vector<64x2000xi32>
    %convert_element_type3A = arith.extui %eq3A_25 : vector<64x2000xi1> to vector<64x2000xi32>
    %convert_element_type3A_26 = arith.sitofp %convert_element_type3A : vector<64x2000xi32> to vector<64x2000xf32>
    %reduce_sum3A = arith.constant dense<0.000000e+00> : vector<64xf32>
    %reduce_sum3A_27 = vector.multi_reduction <add>, %convert_element_type3A_26, %reduce_sum3A [1] : vector<64x2000xf32> to vector<64xf32>
    %broadcast_in_dim3A = vector.shape_cast %reduce_sum3A_27 : vector<64xf32> to vector<64x1xf32>
    %eq3A_28 = arith.constant 0 : i32
    %eq3A_29 = arith.cmpi eq, %arg0, %eq3A_28 : i32
    %convert_element_type3A_30 = arith.extui %eq3A_29 : i1 to i32
    %cond3A = arith.constant 0 : i32
    %cond3A_31 = arith.cmpi ne, %convert_element_type3A_30, %cond3A : i32
    scf.if %cond3A_31 {
      %swap3A = arith.constant 0 : index
      %swap3A_41 = arith.constant 0 : index
      %swap3A_42 = vector.load %arg24[%swap3A, %swap3A_41] : memref<64x128xf32, #tpu.memory_space<vmem>>, vector<64x128xf32>
      tpu.vector_store %arg24[%swap3A, %swap3A_41], %add3A_19 {strides = array<i32>} : memref<64x128xf32, #tpu.memory_space<vmem>>, vector<64x128xf32>,
      %swap3A_43 = arith.constant 0 : index
      %swap3A_44 = arith.constant 0 : index
      %swap3A_45 = vector.load %arg25[%swap3A_43, %swap3A_44] : memref<64x1xf32, #tpu.memory_space<vmem>>, vector<64x1xf32>
      tpu.vector_store %arg25[%swap3A_43, %swap3A_44], %broadcast_in_dim3A {strides = array<i32>} : memref<64x1xf32, #tpu.memory_space<vmem>>, vector<64x1xf32>,
    } else {
    }
    %gt3A = arith.constant 0 : i32
    %gt3A_32 = arith.cmpi sgt, %arg0, %gt3A : i32
    %convert_element_type3A_33 = arith.extui %gt3A_32 : i1 to i32
    %cond3A_34 = arith.constant 0 : i32
    %cond3A_35 = arith.cmpi ne, %convert_element_type3A_33, %cond3A_34 : i32
    scf.if %cond3A_35 {
      %get3A_41 = arith.constant 0 : index
      %get3A_42 = arith.constant 0 : index
      %get3A_43 = vector.load %arg24[%get3A_41, %get3A_42] : memref<64x128xf32, #tpu.memory_space<vmem>>, vector<64x128xf32>
      %add3A_44 = arith.addf %get3A_43, %add3A_19 : vector<64x128xf32>
      %swap3A = arith.constant 0 : index
      %swap3A_45 = arith.constant 0 : index
      %swap3A_46 = vector.load %arg24[%swap3A, %swap3A_45] : memref<64x128xf32, #tpu.memory_space<vmem>>, vector<64x128xf32>
      tpu.vector_store %arg24[%swap3A, %swap3A_45], %add3A_44 {strides = array<i32>} : memref<64x128xf32, #tpu.memory_space<vmem>>, vector<64x128xf32>,
      %get3A_47 = arith.constant 0 : index
      %get3A_48 = arith.constant 0 : index
      %get3A_49 = vector.load %arg25[%get3A_47, %get3A_48] : memref<64x1xf32, #tpu.memory_space<vmem>>, vector<64x1xf32>
      %add3A_50 = arith.addf %get3A_49, %broadcast_in_dim3A : vector<64x1xf32>
      %swap3A_51 = arith.constant 0 : index
      %swap3A_52 = arith.constant 0 : index
      %swap3A_53 = vector.load %arg25[%swap3A_51, %swap3A_52] : memref<64x1xf32, #tpu.memory_space<vmem>>, vector<64x1xf32>
      tpu.vector_store %arg25[%swap3A_51, %swap3A_52], %add3A_50 {strides = array<i32>} : memref<64x1xf32, #tpu.memory_space<vmem>>, vector<64x1xf32>,
    } else {
    }
    %eq3A_36 = arith.constant 4 : i32
    %eq3A_37 = arith.cmpi eq, %arg0, %eq3A_36 : i32
    %convert_element_type3A_38 = arith.extui %eq3A_37 : i1 to i32
    %cond3A_39 = arith.constant 0 : i32
    %cond3A_40 = arith.cmpi ne, %convert_element_type3A_38, %cond3A_39 : i32
    scf.if %cond3A_40 {
      %get3A_41 = arith.constant 0 : index
      %get3A_42 = arith.constant 0 : index
      %get3A_43 = vector.load %arg24[%get3A_41, %get3A_42] : memref<64x128xf32, #tpu.memory_space<vmem>>, vector<64x128xf32>
      %get3A_44 = arith.constant 0 : index
      %get3A_45 = arith.constant 0 : index
      %get3A_46 = vector.load %arg25[%get3A_44, %get3A_45] : memref<64x1xf32, #tpu.memory_space<vmem>>, vector<64x1xf32>
      %max3A = arith.constant 1.000000e+00 : f32
      %max3A_47 = vector.broadcast %max3A : f32 to vector<64x1xf32>
      %max3A_48 = arith.maximumf %get3A_46, %max3A_47 : vector<64x1xf32>
      %div3A = vector.broadcast %max3A_48 : vector<64x1xf32> to vector<64x128xf32>
      %div3A_49 = arith.divf %get3A_43, %div3A : vector<64x128xf32>
      %get3A_50 = arith.constant 0 : index
      %get3A_51 = arith.constant 0 : index
      %get3A_52 = vector.load %arg5[%get3A_50, %get3A_51] : memref<128x256xf32, #tpu.memory_space<vmem>>, vector<128x256xf32>
      %dot_general3A_53 = arith.constant dense<0.000000e+00> : vector<64x256xf32>
      %dot_general3A_54 = tpu.matmul %div3A_49, %get3A_52, %dot_general3A_53 {dimension_numbers = #tpu.dot_dimension_numbers<[1], [0], [0], [1], [0, 0, 1, 1], [], []>, transpose_lhs_hint = false} : vector<64x128xf32>, vector<128x256xf32>, vector<64x256xf32> -> vector<64x256xf32>
      %get3A_55 = arith.constant 0 : index
      %get3A_56 = arith.constant 0 : index
      %get3A_57 = vector.load %arg6[%get3A_55, %get3A_56] : memref<1x256xf32, #tpu.memory_space<vmem>>, vector<1x256xf32>
      %add3A_58 = vector.broadcast %get3A_57 : vector<1x256xf32> to vector<64x256xf32>
      %add3A_59 = arith.addf %dot_general3A_54, %add3A_58 : vector<64x256xf32>
      %get3A_60 = arith.constant 0 : index
      %get3A_61 = arith.constant 0 : index
      %get3A_62 = vector.load %arg7[%get3A_60, %get3A_61] : memref<1x256xf32, #tpu.memory_space<vmem>>, vector<1x256xf32>
      %get3A_63 = arith.constant 0 : index
      %get3A_64 = arith.constant 0 : index
      %get3A_65 = vector.load %arg8[%get3A_63, %get3A_64] : memref<1x256xf32, #tpu.memory_space<vmem>>, vector<1x256xf32>
      %reduce_sum3A_66 = arith.constant dense<0.000000e+00> : vector<256xf32>
      %reduce_sum3A_67 = vector.multi_reduction <add>, %add3A_59, %reduce_sum3A_66 [0] : vector<64x256xf32> to vector<256xf32>
      %div3A_68 = arith.constant 6.400000e+01 : f32
      %div3A_69 = vector.broadcast %div3A_68 : f32 to vector<256xf32>
      %div3A_70 = arith.divf %reduce_sum3A_67, %div3A_69 : vector<256xf32>
      %jit3A = arith.constant 0 : i32
      %reduce_sum3A_71 = arith.constant dense<0.000000e+00> : vector<256xf32>
      %reduce_sum3A_72 = vector.multi_reduction <add>, %add3A_59, %reduce_sum3A_71 [0] : vector<64x256xf32> to vector<256xf32>
      %broadcast_in_dim3A_73 = vector.shape_cast %reduce_sum3A_72 : vector<256xf32> to vector<1x256xf32>
      %div3A_74 = arith.constant 6.400000e+01 : f32
      %div3A_75 = vector.broadcast %div3A_74 : f32 to vector<1x256xf32>
      %div3A_76 = arith.divf %broadcast_in_dim3A_73, %div3A_75 : vector<1x256xf32>
      %sub3A = vector.broadcast %div3A_76 : vector<1x256xf32> to vector<64x256xf32>
      %sub3A_77 = arith.subf %add3A_59, %sub3A : vector<64x256xf32>
      %square3A = arith.mulf %sub3A_77, %sub3A_77 : vector<64x256xf32>
      %convert_element_type3A_78 = arith.sitofp %jit3A : i32 to f32
      %sub3A_79 = arith.constant 6.400000e+01 : f32
      %sub3A_80 = arith.subf %sub3A_79, %convert_element_type3A_78 : f32
      %reduce_sum3A_81 = arith.constant dense<0.000000e+00> : vector<256xf32>
      %reduce_sum3A_82 = vector.multi_reduction <add>, %square3A, %reduce_sum3A_81 [0] : vector<64x256xf32> to vector<256xf32>
      %div3A_83 = vector.broadcast %sub3A_80 : f32 to vector<256xf32>
      %div3A_84 = arith.divf %reduce_sum3A_82, %div3A_83 : vector<256xf32>
      %gt3A_85 = arith.constant 0.000000e+00 : f32
      %gt3A_86 = arith.cmpf ogt, %sub3A_80, %gt3A_85 : f32
      %jit3A_87 = arith.constant 0x7FC00000 : f32
      %broadcast_in_dim3A_88 = vector.broadcast %jit3A_87 : f32 to vector<256xf32>
      %select_n3A = arith.select %gt3A_86, %div3A_84, %broadcast_in_dim3A_88 : vector<256xf32>
      %broadcast_in_dim3A_89 = vector.shape_cast %div3A_70 : vector<256xf32> to vector<1x256xf32>
      %sub3A_90 = vector.broadcast %broadcast_in_dim3A_89 : vector<1x256xf32> to vector<64x256xf32>
      %sub3A_91 = arith.subf %add3A_59, %sub3A_90 : vector<64x256xf32>
      %add3A_92 = arith.constant 9.99999974E-6 : f32
      %add3A_93 = vector.broadcast %add3A_92 : f32 to vector<256xf32>
      %add3A_94 = arith.addf %select_n3A, %add3A_93 : vector<256xf32>
      %sqrt3A = math.sqrt %add3A_94 : vector<256xf32>
      %broadcast_in_dim3A_95 = vector.shape_cast %sqrt3A : vector<256xf32> to vector<1x256xf32>
      %div3A_96 = vector.broadcast %broadcast_in_dim3A_95 : vector<1x256xf32> to vector<64x256xf32>
      %div3A_97 = arith.divf %sub3A_91, %div3A_96 : vector<64x256xf32>
      %mul3A = vector.broadcast %get3A_62 : vector<1x256xf32> to vector<64x256xf32>
      %mul3A_98 = arith.mulf %div3A_97, %mul3A : vector<64x256xf32>
      %add3A_99 = vector.broadcast %get3A_65 : vector<1x256xf32> to vector<64x256xf32>
      %add3A_100 = arith.addf %mul3A_98, %add3A_99 : vector<64x256xf32>
      %max3A_101 = arith.constant 0.000000e+00 : f32
      %max3A_102 = vector.broadcast %max3A_101 : f32 to vector<64x256xf32>
      %max3A_103 = arith.maximumf %add3A_100, %max3A_102 : vector<64x256xf32>
      %get3A_104 = arith.constant 0 : index
      %get3A_105 = arith.constant 0 : index
      %get3A_106 = vector.load %arg9[%get3A_104, %get3A_105] : memref<256x256xf32, #tpu.memory_space<vmem>>, vector<256x256xf32>
      %dot_general3A_107 = arith.constant dense<0.000000e+00> : vector<64x256xf32>
      %dot_general3A_108 = tpu.matmul %max3A_103, %get3A_106, %dot_general3A_107 {dimension_numbers = #tpu.dot_dimension_numbers<[1], [0], [0], [1], [0, 0, 1, 1], [], []>, transpose_lhs_hint = false} : vector<64x256xf32>, vector<256x256xf32>, vector<64x256xf32> -> vector<64x256xf32>
      %get3A_109 = arith.constant 0 : index
      %get3A_110 = arith.constant 0 : index
      %get3A_111 = vector.load %arg10[%get3A_109, %get3A_110] : memref<1x256xf32, #tpu.memory_space<vmem>>, vector<1x256xf32>
      %add3A_112 = vector.broadcast %get3A_111 : vector<1x256xf32> to vector<64x256xf32>
      %add3A_113 = arith.addf %dot_general3A_108, %add3A_112 : vector<64x256xf32>
      %get3A_114 = arith.constant 0 : index
      %get3A_115 = arith.constant 0 : index
      %get3A_116 = vector.load %arg11[%get3A_114, %get3A_115] : memref<1x256xf32, #tpu.memory_space<vmem>>, vector<1x256xf32>
      %get3A_117 = arith.constant 0 : index
      %get3A_118 = arith.constant 0 : index
      %get3A_119 = vector.load %arg12[%get3A_117, %get3A_118] : memref<1x256xf32, #tpu.memory_space<vmem>>, vector<1x256xf32>
      %reduce_sum3A_120 = arith.constant dense<0.000000e+00> : vector<256xf32>
      %reduce_sum3A_121 = vector.multi_reduction <add>, %add3A_113, %reduce_sum3A_120 [0] : vector<64x256xf32> to vector<256xf32>
      %div3A_122 = arith.constant 6.400000e+01 : f32
      %div3A_123 = vector.broadcast %div3A_122 : f32 to vector<256xf32>
      %div3A_124 = arith.divf %reduce_sum3A_121, %div3A_123 : vector<256xf32>
      %jit3A_125 = arith.constant 0 : i32
      %reduce_sum3A_126 = arith.constant dense<0.000000e+00> : vector<256xf32>
      %reduce_sum3A_127 = vector.multi_reduction <add>, %add3A_113, %reduce_sum3A_126 [0] : vector<64x256xf32> to vector<256xf32>
      %broadcast_in_dim3A_128 = vector.shape_cast %reduce_sum3A_127 : vector<256xf32> to vector<1x256xf32>
      %div3A_129 = arith.constant 6.400000e+01 : f32
      %div3A_130 = vector.broadcast %div3A_129 : f32 to vector<1x256xf32>
      %div3A_131 = arith.divf %broadcast_in_dim3A_128, %div3A_130 : vector<1x256xf32>
      %sub3A_132 = vector.broadcast %div3A_131 : vector<1x256xf32> to vector<64x256xf32>
      %sub3A_133 = arith.subf %add3A_113, %sub3A_132 : vector<64x256xf32>
      %square3A_134 = arith.mulf %sub3A_133, %sub3A_133 : vector<64x256xf32>
      %convert_element_type3A_135 = arith.sitofp %jit3A_125 : i32 to f32
      %sub3A_136 = arith.constant 6.400000e+01 : f32
      %sub3A_137 = arith.subf %sub3A_136, %convert_element_type3A_135 : f32
      %reduce_sum3A_138 = arith.constant dense<0.000000e+00> : vector<256xf32>
      %reduce_sum3A_139 = vector.multi_reduction <add>, %square3A_134, %reduce_sum3A_138 [0] : vector<64x256xf32> to vector<256xf32>
      %div3A_140 = vector.broadcast %sub3A_137 : f32 to vector<256xf32>
      %div3A_141 = arith.divf %reduce_sum3A_139, %div3A_140 : vector<256xf32>
      %gt3A_142 = arith.constant 0.000000e+00 : f32
      %gt3A_143 = arith.cmpf ogt, %sub3A_137, %gt3A_142 : f32
      %jit3A_144 = arith.constant 0x7FC00000 : f32
      %broadcast_in_dim3A_145 = vector.broadcast %jit3A_144 : f32 to vector<256xf32>
      %select_n3A_146 = arith.select %gt3A_143, %div3A_141, %broadcast_in_dim3A_145 : vector<256xf32>
      %broadcast_in_dim3A_147 = vector.shape_cast %div3A_124 : vector<256xf32> to vector<1x256xf32>
      %sub3A_148 = vector.broadcast %broadcast_in_dim3A_147 : vector<1x256xf32> to vector<64x256xf32>
      %sub3A_149 = arith.subf %add3A_113, %sub3A_148 : vector<64x256xf32>
      %add3A_150 = arith.constant 9.99999974E-6 : f32
      %add3A_151 = vector.broadcast %add3A_150 : f32 to vector<256xf32>
      %add3A_152 = arith.addf %select_n3A_146, %add3A_151 : vector<256xf32>
      %sqrt3A_153 = math.sqrt %add3A_152 : vector<256xf32>
      %broadcast_in_dim3A_154 = vector.shape_cast %sqrt3A_153 : vector<256xf32> to vector<1x256xf32>
      %div3A_155 = vector.broadcast %broadcast_in_dim3A_154 : vector<1x256xf32> to vector<64x256xf32>
      %div3A_156 = arith.divf %sub3A_149, %div3A_155 : vector<64x256xf32>
      %mul3A_157 = vector.broadcast %get3A_116 : vector<1x256xf32> to vector<64x256xf32>
      %mul3A_158 = arith.mulf %div3A_156, %mul3A_157 : vector<64x256xf32>
      %add3A_159 = vector.broadcast %get3A_119 : vector<1x256xf32> to vector<64x256xf32>
      %add3A_160 = arith.addf %mul3A_158, %add3A_159 : vector<64x256xf32>
      %max3A_161 = arith.constant 0.000000e+00 : f32
      %max3A_162 = vector.broadcast %max3A_161 : f32 to vector<64x256xf32>
      %max3A_163 = arith.maximumf %add3A_160, %max3A_162 : vector<64x256xf32>
      %get3A_164 = arith.constant 0 : index
      %get3A_165 = arith.constant 0 : index
      %get3A_166 = vector.load %arg13[%get3A_164, %get3A_165] : memref<256x256xf32, #tpu.memory_space<vmem>>, vector<256x256xf32>
      %dot_general3A_167 = arith.constant dense<0.000000e+00> : vector<64x256xf32>
      %dot_general3A_168 = tpu.matmul %max3A_163, %get3A_166, %dot_general3A_167 {dimension_numbers = #tpu.dot_dimension_numbers<[1], [0], [0], [1], [0, 0, 1, 1], [], []>, transpose_lhs_hint = false} : vector<64x256xf32>, vector<256x256xf32>, vector<64x256xf32> -> vector<64x256xf32>
      %get3A_169 = arith.constant 0 : index
      %get3A_170 = arith.constant 0 : index
      %get3A_171 = vector.load %arg14[%get3A_169, %get3A_170] : memref<1x256xf32, #tpu.memory_space<vmem>>, vector<1x256xf32>
      %add3A_172 = vector.broadcast %get3A_171 : vector<1x256xf32> to vector<64x256xf32>
      %add3A_173 = arith.addf %dot_general3A_168, %add3A_172 : vector<64x256xf32>
      %get3A_174 = arith.constant 0 : index
      %get3A_175 = arith.constant 0 : index
      %get3A_176 = vector.load %arg15[%get3A_174, %get3A_175] : memref<1x256xf32, #tpu.memory_space<vmem>>, vector<1x256xf32>
      %get3A_177 = arith.constant 0 : index
      %get3A_178 = arith.constant 0 : index
      %get3A_179 = vector.load %arg16[%get3A_177, %get3A_178] : memref<1x256xf32, #tpu.memory_space<vmem>>, vector<1x256xf32>
      %reduce_sum3A_180 = arith.constant dense<0.000000e+00> : vector<256xf32>
      %reduce_sum3A_181 = vector.multi_reduction <add>, %add3A_173, %reduce_sum3A_180 [0] : vector<64x256xf32> to vector<256xf32>
      %div3A_182 = arith.constant 6.400000e+01 : f32
      %div3A_183 = vector.broadcast %div3A_182 : f32 to vector<256xf32>
      %div3A_184 = arith.divf %reduce_sum3A_181, %div3A_183 : vector<256xf32>
      %jit3A_185 = arith.constant 0 : i32
      %reduce_sum3A_186 = arith.constant dense<0.000000e+00> : vector<256xf32>
      %reduce_sum3A_187 = vector.multi_reduction <add>, %add3A_173, %reduce_sum3A_186 [0] : vector<64x256xf32> to vector<256xf32>
      %broadcast_in_dim3A_188 = vector.shape_cast %reduce_sum3A_187 : vector<256xf32> to vector<1x256xf32>
      %div3A_189 = arith.constant 6.400000e+01 : f32
      %div3A_190 = vector.broadcast %div3A_189 : f32 to vector<1x256xf32>
      %div3A_191 = arith.divf %broadcast_in_dim3A_188, %div3A_190 : vector<1x256xf32>
      %sub3A_192 = vector.broadcast %div3A_191 : vector<1x256xf32> to vector<64x256xf32>
      %sub3A_193 = arith.subf %add3A_173, %sub3A_192 : vector<64x256xf32>
      %square3A_194 = arith.mulf %sub3A_193, %sub3A_193 : vector<64x256xf32>
      %convert_element_type3A_195 = arith.sitofp %jit3A_185 : i32 to f32
      %sub3A_196 = arith.constant 6.400000e+01 : f32
      %sub3A_197 = arith.subf %sub3A_196, %convert_element_type3A_195 : f32
      %reduce_sum3A_198 = arith.constant dense<0.000000e+00> : vector<256xf32>
      %reduce_sum3A_199 = vector.multi_reduction <add>, %square3A_194, %reduce_sum3A_198 [0] : vector<64x256xf32> to vector<256xf32>
      %div3A_200 = vector.broadcast %sub3A_197 : f32 to vector<256xf32>
      %div3A_201 = arith.divf %reduce_sum3A_199, %div3A_200 : vector<256xf32>
      %gt3A_202 = arith.constant 0.000000e+00 : f32
      %gt3A_203 = arith.cmpf ogt, %sub3A_197, %gt3A_202 : f32
      %jit3A_204 = arith.constant 0x7FC00000 : f32
      %broadcast_in_dim3A_205 = vector.broadcast %jit3A_204 : f32 to vector<256xf32>
      %select_n3A_206 = arith.select %gt3A_203, %div3A_201, %broadcast_in_dim3A_205 : vector<256xf32>
      %broadcast_in_dim3A_207 = vector.shape_cast %div3A_184 : vector<256xf32> to vector<1x256xf32>
      %sub3A_208 = vector.broadcast %broadcast_in_dim3A_207 : vector<1x256xf32> to vector<64x256xf32>
      %sub3A_209 = arith.subf %add3A_173, %sub3A_208 : vector<64x256xf32>
      %add3A_210 = arith.constant 9.99999974E-6 : f32
      %add3A_211 = vector.broadcast %add3A_210 : f32 to vector<256xf32>
      %add3A_212 = arith.addf %select_n3A_206, %add3A_211 : vector<256xf32>
      %sqrt3A_213 = math.sqrt %add3A_212 : vector<256xf32>
      %broadcast_in_dim3A_214 = vector.shape_cast %sqrt3A_213 : vector<256xf32> to vector<1x256xf32>
      %div3A_215 = vector.broadcast %broadcast_in_dim3A_214 : vector<1x256xf32> to vector<64x256xf32>
      %div3A_216 = arith.divf %sub3A_209, %div3A_215 : vector<64x256xf32>
      %mul3A_217 = vector.broadcast %get3A_176 : vector<1x256xf32> to vector<64x256xf32>
      %mul3A_218 = arith.mulf %div3A_216, %mul3A_217 : vector<64x256xf32>
      %add3A_219 = vector.broadcast %get3A_179 : vector<1x256xf32> to vector<64x256xf32>
      %add3A_220 = arith.addf %mul3A_218, %add3A_219 : vector<64x256xf32>
      %max3A_221 = arith.constant 0.000000e+00 : f32
      %max3A_222 = vector.broadcast %max3A_221 : f32 to vector<64x256xf32>
      %max3A_223 = arith.maximumf %add3A_220, %max3A_222 : vector<64x256xf32>
      %get3A_224 = arith.constant 0 : index
      %get3A_225 = arith.constant 0 : index
      %get3A_226 = vector.load %arg17[%get3A_224, %get3A_225] : memref<256x256xf32, #tpu.memory_space<vmem>>, vector<256x256xf32>
      %dot_general3A_227 = arith.constant dense<0.000000e+00> : vector<64x256xf32>
      %dot_general3A_228 = tpu.matmul %max3A_223, %get3A_226, %dot_general3A_227 {dimension_numbers = #tpu.dot_dimension_numbers<[1], [0], [0], [1], [0, 0, 1, 1], [], []>, transpose_lhs_hint = false} : vector<64x256xf32>, vector<256x256xf32>, vector<64x256xf32> -> vector<64x256xf32>
      %get3A_229 = arith.constant 0 : index
      %get3A_230 = arith.constant 0 : index
      %get3A_231 = vector.load %arg18[%get3A_229, %get3A_230] : memref<1x256xf32, #tpu.memory_space<vmem>>, vector<1x256xf32>
      %add3A_232 = vector.broadcast %get3A_231 : vector<1x256xf32> to vector<64x256xf32>
      %add3A_233 = arith.addf %dot_general3A_228, %add3A_232 : vector<64x256xf32>
      %get3A_234 = arith.constant 0 : index
      %get3A_235 = arith.constant 0 : index
      %get3A_236 = vector.load %arg19[%get3A_234, %get3A_235] : memref<1x256xf32, #tpu.memory_space<vmem>>, vector<1x256xf32>
      %get3A_237 = arith.constant 0 : index
      %get3A_238 = arith.constant 0 : index
      %get3A_239 = vector.load %arg20[%get3A_237, %get3A_238] : memref<1x256xf32, #tpu.memory_space<vmem>>, vector<1x256xf32>
      %reduce_sum3A_240 = arith.constant dense<0.000000e+00> : vector<256xf32>
      %reduce_sum3A_241 = vector.multi_reduction <add>, %add3A_233, %reduce_sum3A_240 [0] : vector<64x256xf32> to vector<256xf32>
      %div3A_242 = arith.constant 6.400000e+01 : f32
      %div3A_243 = vector.broadcast %div3A_242 : f32 to vector<256xf32>
      %div3A_244 = arith.divf %reduce_sum3A_241, %div3A_243 : vector<256xf32>
      %jit3A_245 = arith.constant 0 : i32
      %reduce_sum3A_246 = arith.constant dense<0.000000e+00> : vector<256xf32>
      %reduce_sum3A_247 = vector.multi_reduction <add>, %add3A_233, %reduce_sum3A_246 [0] : vector<64x256xf32> to vector<256xf32>
      %broadcast_in_dim3A_248 = vector.shape_cast %reduce_sum3A_247 : vector<256xf32> to vector<1x256xf32>
      %div3A_249 = arith.constant 6.400000e+01 : f32
      %div3A_250 = vector.broadcast %div3A_249 : f32 to vector<1x256xf32>
      %div3A_251 = arith.divf %broadcast_in_dim3A_248, %div3A_250 : vector<1x256xf32>
      %sub3A_252 = vector.broadcast %div3A_251 : vector<1x256xf32> to vector<64x256xf32>
      %sub3A_253 = arith.subf %add3A_233, %sub3A_252 : vector<64x256xf32>
      %square3A_254 = arith.mulf %sub3A_253, %sub3A_253 : vector<64x256xf32>
      %convert_element_type3A_255 = arith.sitofp %jit3A_245 : i32 to f32
      %sub3A_256 = arith.constant 6.400000e+01 : f32
      %sub3A_257 = arith.subf %sub3A_256, %convert_element_type3A_255 : f32
      %reduce_sum3A_258 = arith.constant dense<0.000000e+00> : vector<256xf32>
      %reduce_sum3A_259 = vector.multi_reduction <add>, %square3A_254, %reduce_sum3A_258 [0] : vector<64x256xf32> to vector<256xf32>
      %div3A_260 = vector.broadcast %sub3A_257 : f32 to vector<256xf32>
      %div3A_261 = arith.divf %reduce_sum3A_259, %div3A_260 : vector<256xf32>
      %gt3A_262 = arith.constant 0.000000e+00 : f32
      %gt3A_263 = arith.cmpf ogt, %sub3A_257, %gt3A_262 : f32
      %jit3A_264 = arith.constant 0x7FC00000 : f32
      %broadcast_in_dim3A_265 = vector.broadcast %jit3A_264 : f32 to vector<256xf32>
      %select_n3A_266 = arith.select %gt3A_263, %div3A_261, %broadcast_in_dim3A_265 : vector<256xf32>
      %broadcast_in_dim3A_267 = vector.shape_cast %div3A_244 : vector<256xf32> to vector<1x256xf32>
      %sub3A_268 = vector.broadcast %broadcast_in_dim3A_267 : vector<1x256xf32> to vector<64x256xf32>
      %sub3A_269 = arith.subf %add3A_233, %sub3A_268 : vector<64x256xf32>
      %add3A_270 = arith.constant 9.99999974E-6 : f32
      %add3A_271 = vector.broadcast %add3A_270 : f32 to vector<256xf32>
      %add3A_272 = arith.addf %select_n3A_266, %add3A_271 : vector<256xf32>
      %sqrt3A_273 = math.sqrt %add3A_272 : vector<256xf32>
      %broadcast_in_dim3A_274 = vector.shape_cast %sqrt3A_273 : vector<256xf32> to vector<1x256xf32>
      %div3A_275 = vector.broadcast %broadcast_in_dim3A_274 : vector<1x256xf32> to vector<64x256xf32>
      %div3A_276 = arith.divf %sub3A_269, %div3A_275 : vector<64x256xf32>
      %mul3A_277 = vector.broadcast %get3A_236 : vector<1x256xf32> to vector<64x256xf32>
      %mul3A_278 = arith.mulf %div3A_276, %mul3A_277 : vector<64x256xf32>
      %add3A_279 = vector.broadcast %get3A_239 : vector<1x256xf32> to vector<64x256xf32>
      %add3A_280 = arith.addf %mul3A_278, %add3A_279 : vector<64x256xf32>
      %add3A_281 = arith.addf %add3A_280, %max3A_163 : vector<64x256xf32>
      %max3A_282 = arith.constant 0.000000e+00 : f32
      %max3A_283 = vector.broadcast %max3A_282 : f32 to vector<64x256xf32>
      %max3A_284 = arith.maximumf %add3A_281, %max3A_283 : vector<64x256xf32>
      %get3A_285 = arith.constant 0 : index
      %get3A_286 = arith.constant 0 : index
      %get3A_287 = vector.load %arg21[%get3A_285, %get3A_286] : memref<1x256xf32, #tpu.memory_space<vmem>>, vector<1x256xf32>
      %mul3A_288 = vector.broadcast %get3A_287 : vector<1x256xf32> to vector<64x256xf32>
      %mul3A_289 = arith.mulf %max3A_284, %mul3A_288 : vector<64x256xf32>
      %reduce_sum3A_290 = arith.constant dense<0.000000e+00> : vector<64xf32>
      %reduce_sum3A_291 = vector.multi_reduction <add>, %mul3A_289, %reduce_sum3A_290 [1] : vector<64x256xf32> to vector<64xf32>
      %broadcast_in_dim3A_292 = vector.shape_cast %reduce_sum3A_291 : vector<64xf32> to vector<64x1xf32>
      %get3A_293 = arith.constant 0 : index
      %get3A_294 = arith.constant 0 : index
      %get3A_295 = vector.load %arg22[%get3A_293, %get3A_294] : memref<1x1xf32, #tpu.memory_space<vmem>>, vector<1x1xf32>
      %add3A_296 = vector.broadcast %get3A_295 : vector<1x1xf32> to vector<64x1xf32>
      %add3A_297 = arith.addf %broadcast_in_dim3A_292, %add3A_296 : vector<64x1xf32>
      %reshape3A = vector.shape_cast %add3A_297 : vector<64x1xf32> to vector<1x64xf32>
      %swap3A = arith.constant 0 : index
      %swap3A_298 = arith.constant 0 : index
      %swap3A_299 = vector.load %arg23[%swap3A, %swap3A_298] : memref<1x64xf32, #tpu.memory_space<vmem>>, vector<1x64xf32>
      tpu.vector_store %arg23[%swap3A, %swap3A_298], %reshape3A {strides = array<i32>} : memref<1x64xf32, #tpu.memory_space<vmem>>, vector<1x64xf32>,
    } else {
    }
    return
  }
  func.func @transform_0(%arg0: i32) -> (i32, i32, i32) {
    %c0_i32 = arith.constant 0 : i32
    %c0_i32_0 = arith.constant 0 : i32
    %c0_i32_1 = arith.constant 0 : i32
    return %c0_i32, %arg0, %c0_i32_0 : i32, i32, i32
  }
  func.func @transform_1(%arg0: i32) -> (i32, i32) {
    %c0_i32 = arith.constant 0 : i32
    %c0_i32_0 = arith.constant 0 : i32
    return %arg0, %c0_i32 : i32, i32
  }
  func.func @transform_2(%arg0: i32) -> (i32, i32) {
    %add3A = arith.constant 5 : i32
    %add3A_0 = arith.addi %arg0, %add3A : i32
    %c0_i32 = arith.constant 0 : i32
    %c0_i32_1 = arith.constant 0 : i32
    return %add3A_0, %c0_i32 : i32, i32
  }
  func.func @transform_3(%arg0: i32) -> (i32, i32, i32) {
    %c0_i32 = arith.constant 0 : i32
    %c0_i32_0 = arith.constant 0 : i32
    %c0_i32_1 = arith.constant 0 : i32
    return %arg0, %c0_i32, %c0_i32_0 : i32, i32, i32
  }
  func.func @transform_4(%arg0: i32) -> (i32, i32) {
    %c0_i32 = arith.constant 0 : i32
    %c0_i32_0 = arith.constant 0 : i32
    %c0_i32_1 = arith.constant 0 : i32
    return %c0_i32, %c0_i32_0 : i32, i32
  }
  func.func @transform_5(%arg0: i32) -> (i32, i32) {
    %c0_i32 = arith.constant 0 : i32
    %c0_i32_0 = arith.constant 0 : i32
    %c0_i32_1 = arith.constant 0 : i32
    return %c0_i32, %c0_i32_0 : i32, i32
  }
  func.func @transform_6(%arg0: i32) -> (i32, i32) {
    %c0_i32 = arith.constant 0 : i32
    %c0_i32_0 = arith.constant 0 : i32
    %c0_i32_1 = arith.constant 0 : i32
    return %c0_i32, %c0_i32_0 : i32, i32
  }
  func.func @transform_7(%arg0: i32) -> (i32, i32) {
    %c0_i32 = arith.constant 0 : i32
    %c0_i32_0 = arith.constant 0 : i32
    %c0_i32_1 = arith.constant 0 : i32
    return %c0_i32, %c0_i32_0 : i32, i32
  }
  func.func @transform_8(%arg0: i32) -> (i32, i32) {
    %c0_i32 = arith.constant 0 : i32
    %c0_i32_0 = arith.constant 0 : i32
    %c0_i32_1 = arith.constant 0 : i32
    return %c0_i32, %c0_i32_0 : i32, i32
  }
  func.func @transform_9(%arg0: i32) -> (i32, i32) {
    %c0_i32 = arith.constant 0 : i32
    %c0_i32_0 = arith.constant 0 : i32
    %c0_i32_1 = arith.constant 0 : i32
    return %c0_i32, %c0_i32_0 : i32, i32
  }
  func.func @transform_10(%arg0: i32) -> (i32, i32) {
    %c0_i32 = arith.constant 0 : i32
    %c0_i32_0 = arith.constant 0 : i32
    %c0_i32_1 = arith.constant 0 : i32
    return %c0_i32, %c0_i32_0 : i32, i32
  }
  func.func @transform_11(%arg0: i32) -> (i32, i32) {
    %c0_i32 = arith.constant 0 : i32
    %c0_i32_0 = arith.constant 0 : i32
    %c0_i32_1 = arith.constant 0 : i32
    return %c0_i32, %c0_i32_0 : i32, i32
  }
  func.func @transform_12(%arg0: i32) -> (i32, i32) {
    %c0_i32 = arith.constant 0 : i32
    %c0_i32_0 = arith.constant 0 : i32
    %c0_i32_1 = arith.constant 0 : i32
    return %c0_i32, %c0_i32_0 : i32, i32
  }
  func.func @transform_13(%arg0: i32) -> (i32, i32) {
    %c0_i32 = arith.constant 0 : i32
    %c0_i32_0 = arith.constant 0 : i32
    %c0_i32_1 = arith.constant 0 : i32
    return %c0_i32, %c0_i32_0 : i32, i32
  }
  func.func @transform_14(%arg0: i32) -> (i32, i32) {
    %c0_i32 = arith.constant 0 : i32
    %c0_i32_0 = arith.constant 0 : i32
    %c0_i32_1 = arith.constant 0 : i32
    return %c0_i32, %c0_i32_0 : i32, i32
  }
  func.func @transform_15(%arg0: i32) -> (i32, i32) {
    %c0_i32 = arith.constant 0 : i32
    %c0_i32_0 = arith.constant 0 : i32
    %c0_i32_1 = arith.constant 0 : i32
    return %c0_i32, %c0_i32_0 : i32, i32
  }
  func.func @transform_16(%arg0: i32) -> (i32, i32) {
    %c0_i32 = arith.constant 0 : i32
    %c0_i32_0 = arith.constant 0 : i32
    %c0_i32_1 = arith.constant 0 : i32
    return %c0_i32, %c0_i32_0 : i32, i32
  }
  func.func @transform_17(%arg0: i32) -> (i32, i32) {
    %c0_i32 = arith.constant 0 : i32
    %c0_i32_0 = arith.constant 0 : i32
    %c0_i32_1 = arith.constant 0 : i32
    return %c0_i32, %c0_i32_0 : i32, i32
  }
  func.func @transform_18(%arg0: i32) -> (i32, i32) {
    %c0_i32 = arith.constant 0 : i32
    %c0_i32_0 = arith.constant 0 : i32
    %c0_i32_1 = arith.constant 0 : i32
    return %c0_i32, %c0_i32_0 : i32, i32
  }
  func.func @transform_19(%arg0: i32) -> (i32, i32) {
    %c0_i32 = arith.constant 0 : i32
    %c0_i32_0 = arith.constant 0 : i32
    %c0_i32_1 = arith.constant 0 : i32
    return %c0_i32, %c0_i32_0 : i32, i32
  }
  func.func @transform_20(%arg0: i32) -> (i32, i32) {
    %c0_i32 = arith.constant 0 : i32
    %c0_i32_0 = arith.constant 0 : i32
    %c0_i32_1 = arith.constant 0 : i32
    return %c0_i32, %c0_i32_0 : i32, i32
  }
  func.func @transform_21(%arg0: i32) -> (i32, i32) {
    %c0_i32 = arith.constant 0 : i32
    %c0_i32_0 = arith.constant 0 : i32
    %c0_i32_1 = arith.constant 0 : i32
    return %c0_i32, %c0_i32_0 : i32, i32
  }
  func.func @transform_22(%arg0: i32) -> (i32, i32) {
    %c0_i32 = arith.constant 0 : i32
    %c0_i32_0 = arith.constant 0 : i32
    %c0_i32_1 = arith.constant 0 : i32
    return %c0_i32, %c0_i32_0 : i32, i32
  }
}

</mosaic_0001>

<sc_bundles>
// kernel: kernel.4.cloned.1.call-start
scs
__scs_entry_jumppad:
0x0: {  	(pc) =	sbr.rel $0x88, $3  }
0x1: {  	(tag) =	ssettag $0x0;
	lr =	simm.s32 $0x1  }
0x2: {  	[smem:$0x3F8B] =	sst lr;
	_ =	strace $0xD0000000  }
0x3: {  	_ = 	snop  }
0x4: {  	_ = 	snop  }
0x5: {  	_ = 	snop  }
0x6: {  	_ = 	snop  }
0x7: {  	_ = 	snop  }
__scs_overlays_trampoline_lowered:
0x8: {  	[smem:$0x3F9A] =	sst s0  }
0x9: {  	[smem:$0x3F9B] =	sst s1  }
0xa: {  	[smem:$0x3F9C] =	sst s2  }
0xb: {  	[smem:$0x3F9D] =	sst s3  }
0xc: {  	[smem:$0x3F9E] =	sst s4  }
0xd: {  	[smem:$0x3F9F] =	sst s5  }
0xe: {  	[smem:$0x3FA0] =	sst s6  }
0xf: {  	[smem:$0x3FA1] =	sst s7  }
0x10: {  	[smem:$0x3FA2] =	sst s8  }
0x11: {  	[smem:$0x3FA3] =	sst s9;
	s0 =	simm.s32 @!p0 $0x0  }
0x12: {  	s1 =	sld [smem:$0x3F89];
	s0 =	simm.s32 @p0 $0x1  }
0x13: {  	[smem:$0x3FA4] =	sst s0;
	s0 =	simm.s32 @!p1 $0x0  }
0x14: {  	s2 =	sld [smem:$0x3F88];
	s0 =	simm.s32 @p1 $0x1  }
0x15: {  	[smem:$0x3FA5] =	sst s0;
	s0 =	simm.s32 @!p2 $0x0  }
0x16: {  	s3 =	sld [smem:$0x3FDB];
	s0 =	simm.s32 @p2 $0x1  }
0x17: {  	s4 =	simm.s32 $0x1BF5;
	[smem:$0x3FA7] =	sst s0  }
0x18: {  	s0 =	sld [smem:$0x3F8A];
	_ =	swait.ge [sflag:s4], $0x0  }
0x19: {  	s7 =	sld [smem:$0x3F8B]  }
0x1a: {  	s8 =	sadd.s32 $0xFFFFE003, lr  }
0x1b: {  	s9 =	sadd.s32 $0xFFFFFEF7, lr;
	s5 =	simm.s32 $0xFFFFFFFF;
	p2 =	slt.u32 s8, $0xFFFFF086  }
0x1c: {  	p1 =	slt.u32 s9, $0xF7A;
	s5 =	simm.s32 @!p2 $0x0  }
0x1d: {  	s5 =	simm.s32 @p1 $0x1;
	p0 =	seq.s32 s7, s2  }
0x1e: {  	s7 =	smul.u32 @!p0 $0xF7A, s2;
	p2 =	seq.s32 @!p0 s5, $0x0  }
0x1f: {  	s9 =	smul.u32 $0xF7A, s1;
	s8 =	simm.s32 @!p0 $0x1BF5;
	p2 =	por !p2, p0  }
0x20: {  	[sflag:s8] =	ssyncset.s32 @!p0 $0xFFFFF086;
	s6 =	sadd.s32 @!p0 s3, s7;
	s7 =	simm.s32 @!p0 $0x108  }
0x21: {  	s3 =	sadd.s32 s3, s9;
	s6 =	sadd.s32 @!p0 $0x88, s6;
	s7 =	simm.s32 @p2 $0x1082  }
0x22: {  	[simem:s7], [sflag:s8] =	dma.local @!p0 [hbm:s6], $0xF7A  }
0x23: {  	s9 =	sor.u32 $0xD0000000, s2;
	s6 =	simm.s32 $0x108;
	_ =	swait.ge @!p0 [sflag:s8], $0x0  }
0x24: {  	s3 =	sadd.s32 $0x88, s3;
	s6 =	simm.s32 @!p1 $0x1082;
	[sflag:s4] =	ssyncset.s32 $0xFFFFF086  }
0x25: {  	[simem:s6], [sflag:s4] =	dma.local [hbm:s3], $0xF7A  }
0x26: {  	[smem:$0x3F8B] =	sst s1;
	(tag) =	ssettag s2;
	_ =	strace s9  }
0x27: {  	s1 =	sld [smem:$0x3F9B]  }
0x28: {  	s2 =	sld [smem:$0x3F9C]  }
0x29: {  	s4 =	sld [smem:$0x3F9E]  }
0x2a: {  	p0 =	seq.s32 s5, $0x0;
	s5 =	sld [smem:$0x3F9F]  }
0x2b: {  	s6 =	sld [smem:$0x3FA0]  }
0x2c: {  	s7 =	sld [smem:$0x3FA1]  }
0x2d: {  	s3 =	simm.s32 $0x108;
	s8 =	sld [smem:$0x3FA2]  }
0x2e: {  	s3 =	simm.s32 @!p0 $0x1082;
	s9 =	sld [smem:$0x3FA3]  }
0x2f: {  	lr =	sadd.s32 s0, s3;
	s0 =	sld [smem:$0x3F9A]  }
0x30: {  	s3 =	sld [smem:$0x3F9D]  }
0x31: {  	[smem:$0x3FA6] =	sst s10  }
0x32: {  	s10 =	sld [smem:$0x3FA4];
	_ =	sdelay $0x3  }
0x33: {  	p0 =	seq.s32 s10, $0x1;
	s10 =	sld [smem:$0x3FA6];
	_ =	sdelay $0x3  }
0x34: {  	[smem:$0x3FA6] =	sst s10  }
0x35: {  	s10 =	sld [smem:$0x3FA5];
	_ =	sdelay $0x3  }
0x36: {  	p1 =	seq.s32 s10, $0x1;
	s10 =	sld [smem:$0x3FA6];
	_ =	sdelay $0x3  }
0x37: {  	[smem:$0x3FA6] =	sst s10  }
0x38: {  	s10 =	sld [smem:$0x3FA7]  }
0x39: {  	_ = 	snop;
	(pc) =	sbr.ind lr, $3  }
0x3a: {  	_ = 	snop  }
0x3b: {  	_ = 	snop  }
0x3c: {  	p2 =	seq.s32 s10, $0x1;
	s10 =	sld [smem:$0x3FA6]  }
0x3d: {  	_ =	shalt  }
0x3e: {  	_ =	shalt  }
0x3f: {  	_ =	shalt  }
0x40: {  	_ =	shalt  }
0x41: {  	_ =	shalt  }
0x42: {  	_ =	shalt  }
0x43: {  	_ =	shalt  }
0x44: {  	_ =	shalt  }
0x45: {  	_ =	shalt  }
0x46: {  	_ =	shalt  }
0x47: {  	_ =	shalt  }
0x48: {  	_ =	shalt  }
0x49: {  	_ =	shalt  }
0x4a: {  	_ =	shalt  }
0x4b: {  	_ =	shalt  }
0x4c: {  	_ =	shalt  }
0x4d: {  	_ =	shalt  }
0x4e: {  	_ =	shalt  }
0x4f: {  	_ =	shalt  }
0x50: {  	_ =	shalt  }
0x51: {  	_ =	shalt  }
0x52: {  	_ =	shalt  }
0x53: {  	_ =	shalt  }
0x54: {  	_ =	shalt  }
0x55: {  	_ =	shalt  }
0x56: {  	_ =	shalt  }
0x57: {  	_ =	shalt  }
0x58: {  	_ =	shalt  }
0x59: {  	_ =	shalt  }
0x5a: {  	_ =	shalt  }
0x5b: {  	_ =	shalt  }
0x5c: {  	_ =	shalt  }
0x5d: {  	_ =	shalt  }
0x5e: {  	_ =	shalt  }
0x5f: {  	_ =	shalt  }
0x60: {  	_ =	shalt  }
0x61: {  	_ =	shalt  }
0x62: {  	_ =	shalt  }
0x63: {  	_ =	shalt  }
0x64: {  	_ =	shalt  }
0x65: {  	_ =	shalt  }
0x66: {  	_ =	shalt  }
0x67: {  	_ =	shalt  }
0x68: {  	_ =	shalt  }
0x69: {  	_ =	shalt  }
0x6a: {  	_ =	shalt  }
0x6b: {  	_ =	shalt  }
0x6c: {  	_ =	shalt  }
0x6d: {  	_ =	shalt  }
0x6e: {  	_ =	shalt  }
0x6f: {  	_ =	shalt  }
0x70: {  	_ =	shalt  }
0x71: {  	_ =	shalt  }
0x72: {  	_ =	shalt  }
0x73: {  	_ =	shalt  }
0x74: {  	_ =	shalt  }
0x75: {  	_ =	shalt  }
0x76: {  	_ =	shalt  }
0x77: {  	_ =	shalt  }
0x78: {  	_ =	shalt  }
0x79: {  	_ =	shalt  }
0x7a: {  	_ =	shalt  }
0x7b: {  	_ =	shalt  }
0x7c: {  	_ =	shalt  }
0x7d: {  	_ =	shalt  }
0x7e: {  	_ =	shalt  }
0x7f: {  	_ =	shalt  }
0x80: {  	_ =	shalt  }
0x81: {  	_ =	shalt  }
0x82: {  	_ =	shalt  }
0x83: {  	_ =	shalt  }
0x84: {  	_ =	shalt  }
0x85: {  	_ =	shalt  }
0x86: {  	_ =	shalt  }
0x87: {  	_ =	shalt  }
.Lfunc_end0:
.L_simem_size_0:
called_computation_lowered:
.L_overlay_start_0:
0x88: {  	s2 =	sld [smem:$0x3FD9]  }
0x89: {  	s3 =	sld [smem:$0x3FFE];
	_ =	sdelay $0x1  }
0x8a: {  	s1 =	srdreg.scid  }
0x8b: {  	s0 =	sand.u32 $0x1, s1  }
0x8c: {  	s17 =	sshll.u32 s0, $0xA;
	s2 =	sadd.s32 s3, s2  }
0x8d: {  	s2 =	sadd.s32 s2, s17  }
0x8e: {  	[smem:$0x3FB2] =	sst s2  }
0x8f: {  	_ = 	snop  }
0x90: {  	s2 =	sld [smem:$0x3FC8]  }
0x91: {  	s18 =	sld [smem:$0x3FC7]  }
0x92: {  	s4 =	sld [smem:$0x3FC6];
	(tm) =	ssettm $0x1  }
0x93: {  	s5 =	sld [smem:$0x3FFB];
	_ =	sdelay $0x3  }
0x94: {  	_ =	strace s5  }
0x95: {  	s5 =	sld [smem:$0x3FFC];
	_ =	sdelay $0x3  }
0x96: {  	_ =	strace s5  }
0x97: {  	s5 =	sld [smem:$0x3FFD];
	_ =	sdelay $0x3  }
0x98: {  	_ =	strace s5  }
0x99: {  	_ =	strace $0x8FFFFFFF  }
0x9a: {  	s19 =	sld [smem:$0x3FDB];
	_ =	sdelay $0x1  }
0x9b: {  	s6 =	simm.s32 $_scs_section_size  }
0x9c: {  	s7 =	simm.s32 $_size__tile_overlayer_lowered;
	s8 =	simm.s32 $_tile_overlayer_lowered  }
0x9d: {  	s22 =	simm.s32 $0x1BFF;
	s21 =	sshll.u32 s8, $0x1;
	s5 =	sadd.s32 s6, s19  }
0x9e: {  	s9 =	simm.s32 $0x0;
	s20 =	sshll.u32 s7, $0x1;
	s7 =	sadd.s32 s21, s5  }
0x9f: {  	[timem:s9], [sflag:s22] =	dma.local [hbm:s7], s20  }
0xa0: {  	_ =	swait.ge [sflag:s22], s20  }
0xa1: {  	s6 =	ssub.s32 $0x0, s20;
	[sflag:s22] =	ssyncset.done $0x0  }
0xa2: {  	[sflag:s22] =	ssyncadd.s32 s6;
	_ =	sdelay $0x1  }
0xa3: {  	s23 =	simm.s32 $0x1B8B  }
0xa4: {  	_ =	swait.ge [sflag:s23], $0x1  }
0xa5: {  	[sflag:s23] =	ssyncset.done $0x0  }
0xa6: {  	s25 =	simm.s32 $0x1B8E;
	s24 =	sld [smem:$0x3FFE];
	[sflag:s23] =	ssyncadd.s32 $0xFFFFFFFF  }
0xa7: {  	s26 =	simm.s32 $execute0_lowered;
	[smem:$0x3FD2] =	sst s25  }
0xa8: {  	s7 =	sshll.u32 s26, $0x1;
	_ =	strace $0x80000046;
	[dreg:$0x1] =	wrdreg $0xFFFFFFFF  }
0xa9: {  	s28 =	simm.s32 $_size_execute0_lowered;
	s5 =	sadd.s32 s5, s7;
	[dreg:$0x0] =	wrdreg $0x0  }
0xaa: {  	s7 =	sshll.u32 s28, $0x1;
	[dreg:$0x2] =	wrdreg s5  }
0xab: {  	[dreg:$0x3] =	wrdreg s7  }
0xac: {  	[dreg:$0x4] =	wrdreg $0xC0  }
0xad: {  	_ =	task [dreg:s9], $0x5FFFF  }
0xae: {  	[dreg:$0x1] =	wrdreg $0xFFFFFFFF  }
0xaf: {  	[dreg:$0x0] =	wrdreg $0x60  }
0xb0: {  	[dreg:$0x2] =	wrdreg s2  }
0xb1: {  	[dreg:$0x3] =	wrdreg s18  }
0xb2: {  	[dreg:$0x4] =	wrdreg s4  }
0xb3: {  	[dreg:$0x5] =	wrdreg s24  }
0xb4: {  	[dreg:$0x6] =	wrdreg $0x12D000  }
0xb5: {  	[dreg:$0x7] =	wrdreg $0x9  }
0xb6: {  	_ =	task.clear_ibuf [dreg:s9], $0x8FFFF;
	_ =	strace $0x90000046  }
0xb7: {  	s29 =	simm.s32 $0x9;
	_ =	strace $0x80000048  }
0xb8: {  	_ =	swait.ge [sflag:s29], $0x1  }
0xb9: {  	[sflag:s29] =	ssyncadd.s32 $0xFFFFFFFF  }
0xba: {  	_ =	strace $0x90000048  }
0xbb: {  	_ =	sfence  }
0xbc: {  	s30 =	sld [smem:$0x0];
	_ =	sdelay $0x2  }
0xbd: {  	s31 =	sshll.u32 s1, $0xD;
	s1 =	sshrl.u32 s1, $0x2  }
0xbe: {  	s3 =	sand.u32 $0x4000, s31;
	s1 =	sadd.s32 s1, s30  }
0xbf: {  	s0 =	sor.u32 s3, s0;
	s1 =	sshll.u32 s1, $0x11  }
0xc0: {  	s0 =	sor.u32 s1, s0  }
0xc1: {  	s0 =	sadd.s32 $0x8F2B, s0  }
0xc2: {  	[sflag:s0] =	ssyncadd.remote.s32 $0x1  }
0xc3: {  	_ =	sfence.sel $0xFFFF  }
0xc4: {  	[dreg:$0x0] =	wrdreg $0xFFFFFFFF;
	(pc) =	sbr.abs _section_cstart, $3  }
0xc5: {  	[dreg:$0x1] =	wrdreg $0xFFFFFFFF  }
0xc6: {  	_ =	task.clear_ibuf [dreg:s9], $0x2FFFF;
	_ =	strace $0x9FFFFFFF  }
0xc7: {  	(tm) =	ssettm $0x7FFFFFFF  }
tec
execute0_lowered:
.L_overlay_start_1:
0x0: {  	(tag) =	ssettag $0x1  }
0x1: {  	s0 =	rddreg [dreg:$0x0]  }
0x2: {  	s1 =	rddreg [dreg:$0x1]  }
0x3: {  	s2 =	rddreg [dreg:$0x3]  }
0x4: {  	s3 =	rddreg [dreg:$0x4]  }
0x5: {  	s4 =	srdreg.scid;
	s9 =	stileid.u32  }
0x6: {  	s20 =	simm.s32 $0x7680;
	s21 =	simm.s32 $0xEE00;
	s28 =	simm.s32 $0x10D80  }
0x7: {  	s29 =	simm.s32 $0x4;
	s5 =	sand.u32 $0x1, s4;
	s8 =	smul.u32 $0x9C40, s9  }
0x8: {  	s30 =	simm.s32 $0x0;
	s4 =	simm.s32 $0x0;
	s6 =	smul.u32 $0x9C400, s5  }
0x9: {  	s7 =	sshll.u32 s5, $0x4;
	[smem:$0x7FF] =	sst s4;
	s5 =	ssub.s32 $0x2, s5  }
0xa: {  	s7 =	sor.u32 s9, s7;
	_ =	strace $0x80000047;
	s22 =	sshrl.u32 s5, $0x1  }
0xb: {  	s6 =	sadd.s32 s8, s6;
	s7 =	smul.u32 $0x9C4, s7;
	s18 =	ssub.s32 s5, s22  }
0xc: {  	s8 =	sadd.s32 s8, s3;
	s22 =	simm.s32 $0x1;
	s6 =	sshrl.u32 s6, $0x3  }
0xd: {  	s9 =	sadd.s32 $0x1F40, s8;
	s10 =	sadd.s32 $0x3E80, s8;
	s11 =	sadd.s32 $0x5DC0, s8  }
0xe: {  	s12 =	sadd.s32 $0x7D00, s8;
	s18 =	smax.u32 s18, $0x1;
	s2 =	sadd.s32 s6, s2  }
0xf: {  	s23 =	sadd.s32 $0x9C4, s7;
	s24 =	sshrl.u32 s7, $0x5;
	s25 =	sshrl.u32 s7, $0x1  }
0x10: {  	s26 =	sand.u32 $0x1FFE0, s7;
	s5 =	sshrl.u32 s23, $0x5;
	s31 =	sand.u32 $0xFFF0, s25  }
0x11: {  	s6 =	sadd.s32 s0, s26;
	s13 =	sadd.s32 $0x2C00, s2;
	s14 =	sadd.s32 $0x2FE8, s2  }
0x12: {  	s15 =	sadd.s32 $0x33D0, s2;
	s16 =	sadd.s32 $0x37B8, s2;
	s17 =	sadd.s32 $0x3BA0, s2  }
0x13: {  	s23 =	simm.s32 $0x2;
	s25 =	simm.s32 $0x3;
	s26 =	simm.s32 $0x5  }
0x14: {  	v0 =	vimm.f32 $0.0e+00;
	v1 =	vimm.s32 $0x0;
	s5 =	ssub.s32 s5, s24;
	s7 =	sadd.s32 s1, s31;
	s24 =	simm.s32 $0x80  }
.LBB2_1:
0x15: {  	s0 =	rddreg [dreg:$0x2]  }
0x16: {  	[tilespmem:s4], [sflag:$0x1] =	stream.linear.gather [hbm4b:s0+s4], $0x2780, $0x38;
	[tilespmem:$0x1C940] =	vst v63  }
0x17: {  	s31 =	simm.s32 $0x2780  }
0x18: {  	[tilespmem:s31], [sflag:$0x1] =	stream.linear.gather [hbm4b:s6+s4], $0x4F00, $0x38;
	[tilespmem:$0x1C940] =	vst v63  }
0x19: {  	s1 =	simm.s32 $0x0;
	s0 =	simm.s32 $0x40  }
0x1a: {  	[tilespmem:s20], [sflag:$0x1] =	stream.linear.gather [hbm4b:s7+s4], $0x2780, $0x38;
	[tilespmem:$0x1C940] =	vst v63  }
.LBB2_2:
0x1b: {  	p0 =	sne.s32 s0, $0x7CC0;
	[tilespmem:s1+$0xEE00] =	vst v0;
	s1 =	smov.u32 s0;
	s0 =	sadd.s32 $0x40, s0  }
.Ltmp0:
0x1c: {  	(pc) =	sbr.rel @p0 .LBB2_2-.Ltmp0, $2  }
0x1d: {  	_ =	sdelay $0x2  }
0x1e: {  	s1 =	sshra.s32 s1, $0x2  }
0x1f: {  	[tilespmem:s1+$0xEE00] =	vst v0  }
0x20: {  	[spmem:s8] =	stream.linear.scatter [tilespmem:s21], [sflag:$0x2], $0x1F40, $0x38;
	[tilespmem:$0x1C940] =	vst v63  }
0x21: {  	_ = 	snop  }
0x22: {  	[spmem:s9] =	stream.linear.scatter [tilespmem:s21], [sflag:$0x2], $0x1F40, $0x38;
	[tilespmem:$0x1C940] =	vst v63  }
0x23: {  	_ = 	snop  }
0x24: {  	[spmem:s10] =	stream.linear.scatter [tilespmem:s21], [sflag:$0x2], $0x1F40, $0x38;
	[tilespmem:$0x1C940] =	vst v63  }
0x25: {  	_ = 	snop  }
0x26: {  	[spmem:s11] =	stream.linear.scatter [tilespmem:s21], [sflag:$0x2], $0x1F40, $0x38;
	[tilespmem:$0x1C940] =	vst v63  }
0x27: {  	_ = 	snop  }
0x28: {  	[spmem:s12] =	stream.linear.scatter [tilespmem:s21], [sflag:$0x2], $0x1F40, $0x38;
	[tilespmem:$0x1C940] =	vst v63  }
0x29: {  	_ =	swait.ge [sflag:s22], $0x2780  }
0x2a: {  	[sflag:s22] =	ssyncset.done $0x0  }
0x2b: {  	[sflag:s22] =	ssyncadd.s32 $0xFFFFD880  }
0x2c: {  	_ =	swait.ge [sflag:s22], $0x4F00  }
0x2d: {  	[sflag:s22] =	ssyncset.done $0x0  }
0x2e: {  	[sflag:s22] =	ssyncadd.s32 $0xFFFFB100  }
0x2f: {  	s31 =	simm.s32 $0x0;
	_ =	swait.ge [sflag:s22], $0x2780  }
0x30: {  	s0 =	simm.s32 $0x2800;
	s1 =	simm.s32 $0xC640;
	[sflag:s22] =	ssyncset.done $0x0  }
0x31: {  	s2 =	simm.s32 $0x76C0;
	s19 =	simm.s32 $0x9E40;
	[sflag:s22] =	ssyncadd.s32 $0xFFFFD880  }
.LBB2_4:
0x32: {  	v2 =	vld [tilespmem:s0+$0x0];
	_ =	sdelay $0x3  }
0x33: {  	p0 =	slt.s32 s31, s5  }
0x34: {  	v2 =	vpsel !p0, $0x0, v2;
	_ =	sdelay $0x1  }
0x35: {  	v3 =	vld [tilespmem:s0+$0xFFFFFF80];
	_ =	sdelay $0x2  }
0x36: {  	v2 =	vld.idx.msk [tilespmem:v2+s4+$0x0], $0xffff;
	_ =	sdelay $0x1  }
0x37: {  	vm0 =	vgt.s32 v3, $0x1387  }
0x38: {  	v4 =	vsel vm0, $0x1FFEC78, v1  }
0x39: {  	v49 =	vsel vm0, $0x40, v1;
	v3 =	vadd.s32 v3, v4  }
0x3a: {  	v3 =	vshll.u32 v3, $0x7;
	v2 =	vadd.s32 v2, v49  }
0x3b: {  	v2 =	vadd.s32 v3, v2  }
0x3c: {  	v2 =	vpsel !p0, $0x0, v2  }
0x3d: {  	[tilespmem:s19+$0xFFFFFFC0] =	vst v2  }
0x3e: {  	v2 =	vld [tilespmem:s2+$0xFFFFFFC0];
	_ =	sdelay $0x4  }
0x3f: {  	v2 =	vpsel !p0, $0x0, v2  }
0x40: {  	[tilespmem:s1+$0xFFFFFFC0] =	vst v2  }
0x41: {  	v2 =	vld [tilespmem:s0+$0x10];
	_ =	sdelay $0x4  }
0x42: {  	v2 =	vpsel !p0, $0x0, v2;
	_ =	sdelay $0x1  }
0x43: {  	v3 =	vld [tilespmem:s0+$0xFFFFFF90];
	_ =	sdelay $0x2  }
0x44: {  	v2 =	vld.idx.msk [tilespmem:v2+s4+$0x0], $0xffff;
	_ =	sdelay $0x1  }
0x45: {  	vm9 =	vgt.s32 v3, $0x1387  }
0x46: {  	v50 =	vsel vm9, $0x1FFEC78, v1  }
0x47: {  	v51 =	vsel vm9, $0x40, v1;
	v3 =	vadd.s32 v3, v50  }
0x48: {  	v3 =	vshll.u32 v3, $0x7;
	v2 =	vadd.s32 v2, v51  }
0x49: {  	v2 =	vadd.s32 v3, v2  }
0x4a: {  	v2 =	vpsel !p0, $0x0, v2  }
0x4b: {  	[tilespmem:s19+$0xFFFFFFD0] =	vst v2  }
0x4c: {  	v2 =	vld [tilespmem:s2+$0xFFFFFFD0];
	_ =	sdelay $0x4  }
0x4d: {  	v2 =	vpsel !p0, $0x0, v2  }
0x4e: {  	[tilespmem:s1+$0xFFFFFFD0] =	vst v2  }
0x4f: {  	v2 =	vld [tilespmem:s0+$0x20];
	_ =	sdelay $0x4  }
0x50: {  	v2 =	vpsel !p0, $0x0, v2;
	_ =	sdelay $0x1  }
0x51: {  	v3 =	vld [tilespmem:s0+$0xFFFFFFA0];
	_ =	sdelay $0x2  }
0x52: {  	v2 =	vld.idx.msk [tilespmem:v2+s4+$0x0], $0xffff;
	_ =	sdelay $0x1  }
0x53: {  	vm10 =	vgt.s32 v3, $0x1387  }
0x54: {  	v52 =	vsel vm10, $0x1FFEC78, v1  }
0x55: {  	v53 =	vsel vm10, $0x40, v1;
	v3 =	vadd.s32 v3, v52  }
0x56: {  	v3 =	vshll.u32 v3, $0x7;
	v2 =	vadd.s32 v2, v53  }
0x57: {  	v2 =	vadd.s32 v3, v2  }
0x58: {  	v2 =	vpsel !p0, $0x0, v2  }
0x59: {  	[tilespmem:s19+$0xFFFFFFE0] =	vst v2  }
0x5a: {  	v2 =	vld [tilespmem:s2+$0xFFFFFFE0];
	_ =	sdelay $0x4  }
0x5b: {  	v2 =	vpsel !p0, $0x0, v2  }
0x5c: {  	[tilespmem:s1+$0xFFFFFFE0] =	vst v2  }
0x5d: {  	v2 =	vld [tilespmem:s0+$0x30];
	_ =	sdelay $0x4  }
0x5e: {  	v2 =	vpsel !p0, $0x0, v2;
	_ =	sdelay $0x1  }
0x5f: {  	v3 =	vld [tilespmem:s0+$0xFFFFFFB0];
	_ =	sdelay $0x2  }
0x60: {  	v2 =	vld.idx.msk [tilespmem:v2+s4+$0x0], $0xffff;
	_ =	sdelay $0x1  }
0x61: {  	vm11 =	vgt.s32 v3, $0x1387  }
0x62: {  	v54 =	vsel vm11, $0x1FFEC78, v1  }
0x63: {  	v55 =	vsel vm11, $0x40, v1;
	v3 =	vadd.s32 v3, v54  }
0x64: {  	v3 =	vshll.u32 v3, $0x7;
	v2 =	vadd.s32 v2, v55  }
0x65: {  	v2 =	vadd.s32 v3, v2  }
0x66: {  	v2 =	vpsel !p0, $0x0, v2  }
0x67: {  	[tilespmem:s19+$0xFFFFFFF0] =	vst v2  }
0x68: {  	v2 =	vld [tilespmem:s2+$0xFFFFFFF0];
	_ =	sdelay $0x4  }
0x69: {  	v2 =	vpsel !p0, $0x0, v2  }
0x6a: {  	[tilespmem:s1+$0xFFFFFFF0] =	vst v2  }
0x6b: {  	v2 =	vld [tilespmem:s0+$0x40];
	_ =	sdelay $0x4  }
0x6c: {  	v2 =	vpsel !p0, $0x0, v2;
	_ =	sdelay $0x1  }
0x6d: {  	v3 =	vld [tilespmem:s0+$0xFFFFFFC0];
	_ =	sdelay $0x2  }
0x6e: {  	v2 =	vld.idx.msk [tilespmem:v2+s4+$0x0], $0xffff;
	_ =	sdelay $0x1  }
0x6f: {  	vm12 =	vgt.s32 v3, $0x1387  }
0x70: {  	v56 =	vsel vm12, $0x1FFEC78, v1  }
0x71: {  	v57 =	vsel vm12, $0x40, v1;
	v3 =	vadd.s32 v3, v56  }
0x72: {  	v3 =	vshll.u32 v3, $0x7;
	v2 =	vadd.s32 v2, v57  }
0x73: {  	v2 =	vadd.s32 v3, v2  }
0x74: {  	v2 =	vpsel !p0, $0x0, v2  }
0x75: {  	[tilespmem:s19+$0x0] =	vst v2  }
0x76: {  	v2 =	vld [tilespmem:s2+$0x0];
	_ =	sdelay $0x4  }
0x77: {  	v2 =	vpsel !p0, $0x0, v2  }
0x78: {  	[tilespmem:s1+$0x0] =	vst v2  }
0x79: {  	v2 =	vld [tilespmem:s0+$0x50];
	_ =	sdelay $0x4  }
0x7a: {  	v2 =	vpsel !p0, $0x0, v2;
	_ =	sdelay $0x1  }
0x7b: {  	v3 =	vld [tilespmem:s0+$0xFFFFFFD0];
	_ =	sdelay $0x2  }
0x7c: {  	v2 =	vld.idx.msk [tilespmem:v2+s4+$0x0], $0xffff;
	_ =	sdelay $0x1  }
0x7d: {  	vm13 =	vgt.s32 v3, $0x1387  }
0x7e: {  	v58 =	vsel vm13, $0x1FFEC78, v1  }
0x7f: {  	v59 =	vsel vm13, $0x40, v1;
	v3 =	vadd.s32 v3, v58  }
0x80: {  	v3 =	vshll.u32 v3, $0x7;
	v2 =	vadd.s32 v2, v59  }
0x81: {  	v2 =	vadd.s32 v3, v2  }
0x82: {  	v2 =	vpsel !p0, $0x0, v2  }
0x83: {  	[tilespmem:s19+$0x10] =	vst v2  }
0x84: {  	v2 =	vld [tilespmem:s2+$0x10];
	_ =	sdelay $0x4  }
0x85: {  	v2 =	vpsel !p0, $0x0, v2  }
0x86: {  	[tilespmem:s1+$0x10] =	vst v2  }
0x87: {  	v2 =	vld [tilespmem:s0+$0x60];
	_ =	sdelay $0x4  }
0x88: {  	v2 =	vpsel !p0, $0x0, v2;
	_ =	sdelay $0x1  }
0x89: {  	v3 =	vld [tilespmem:s0+$0xFFFFFFE0];
	_ =	sdelay $0x2  }
0x8a: {  	v2 =	vld.idx.msk [tilespmem:v2+s4+$0x0], $0xffff;
	_ =	sdelay $0x1  }
0x8b: {  	vm14 =	vgt.s32 v3, $0x1387  }
0x8c: {  	v60 =	vsel vm14, $0x1FFEC78, v1  }
0x8d: {  	v61 =	vsel vm14, $0x40, v1;
	v3 =	vadd.s32 v3, v60  }
0x8e: {  	v3 =	vshll.u32 v3, $0x7;
	v2 =	vadd.s32 v2, v61  }
0x8f: {  	v2 =	vadd.s32 v3, v2  }
0x90: {  	v2 =	vpsel !p0, $0x0, v2  }
0x91: {  	[tilespmem:s19+$0x20] =	vst v2  }
0x92: {  	v2 =	vld [tilespmem:s2+$0x20];
	_ =	sdelay $0x4  }
0x93: {  	v2 =	vpsel !p0, $0x0, v2  }
0x94: {  	[tilespmem:s1+$0x20] =	vst v2  }
0x95: {  	v2 =	vld [tilespmem:s0+$0x70];
	_ =	sdelay $0x4  }
0x96: {  	v2 =	vpsel !p0, $0x0, v2;
	_ =	sdelay $0x1  }
0x97: {  	v3 =	vld [tilespmem:s0+$0xFFFFFFF0];
	_ =	sdelay $0x2  }
0x98: {  	v2 =	vld.idx.msk [tilespmem:v2+s4+$0x0], $0xffff;
	_ =	sdelay $0x1  }
0x99: {  	vm15 =	vgt.s32 v3, $0x1387  }
0x9a: {  	v62 =	vsel vm15, $0x1FFEC78, v1  }
0x9b: {  	v63 =	vsel vm15, $0x40, v1;
	v3 =	vadd.s32 v3, v62  }
0x9c: {  	v3 =	vshll.u32 v3, $0x7;
	v2 =	vadd.s32 v2, v63  }
0x9d: {  	v2 =	vadd.s32 v3, v2  }
0x9e: {  	v2 =	vpsel !p0, $0x0, v2  }
0x9f: {  	[tilespmem:s19+$0x30] =	vst v2  }
0xa0: {  	v2 =	vld [tilespmem:s2+$0x30];
	_ =	sdelay $0x4  }
0xa1: {  	v2 =	vpsel !p0, $0x0, v2;
	p0 =	sne.s32 s31, $0x4E  }
.Ltmp1:
0xa2: {  	_ = 	snop;
	(pc) =	sbr.rel @p0 .LBB2_4-.Ltmp1, $3  }
0xa3: {  	_ =	sdelay $0x1  }
0xa4: {  	s0 =	sadd.s32 $0x100, s0;
	s19 =	sadd.s32 $0x80, s19  }
0xa5: {  	s2 =	sadd.s32 $0x80, s2;
	s31 =	sadd.s32 $0x1, s31;
	[tilespmem:s1+$0x30] =	vst v2;
	s1 =	sadd.s32 $0x80, s1  }
0xa6: {  	_ =	swait.ge [sflag:s23], $0x1F40  }
0xa7: {  	[sflag:s23] =	ssyncset.done $0x0  }
0xa8: {  	[sflag:s23] =	ssyncadd.s32 $0xFFFFE0C0  }
0xa9: {  	_ =	swait.ge [sflag:s23], $0x1F40  }
0xaa: {  	[sflag:s23] =	ssyncset.done $0x0  }
0xab: {  	[sflag:s23] =	ssyncadd.s32 $0xFFFFE0C0  }
0xac: {  	_ =	swait.ge [sflag:s23], $0x1F40  }
0xad: {  	[sflag:s23] =	ssyncset.done $0x0  }
0xae: {  	[sflag:s23] =	ssyncadd.s32 $0xFFFFE0C0  }
0xaf: {  	_ =	swait.ge [sflag:s23], $0x1F40  }
0xb0: {  	[sflag:s23] =	ssyncset.done $0x0  }
0xb1: {  	[sflag:s23] =	ssyncadd.s32 $0xFFFFE0C0  }
0xb2: {  	_ =	swait.ge [sflag:s23], $0x1F40  }
0xb3: {  	[sflag:s23] =	ssyncset.done $0x0  }
0xb4: {  	[sflag:s23] =	ssyncadd.s32 $0xFFFFE0C0  }
0xb5: {  	s0 =	simm.s32 $0x0;
	[bflag:$0x0] =	sbarrier.arrive $0xFFFF  }
.LBB2_6:
0xb6: {  	p0 =	sne.s32 s0, $0x9C00  }
.Ltmp2:
0xb7: {  	_ = 	snop;
	(pc) =	sbr.rel @p0 .LBB2_6-.Ltmp2, $4  }
0xb8: {  	_ = 	snop  }
0xb9: {  	s1 =	sshra.s32 s0, $0x2  }
0xba: {  	s0 =	sadd.s32 $0x200, s0;
	s2 =	sadd.s32 $0xC600, s1;
	s1 =	sadd.s32 $0x9E00, s1  }
0xbb: {  	[spmem:s3] =	stream.indirect.scatter.add.f32 [tilespmem:s2], [sflag:$0x3], $0x1, s1, s24, $0xb8;
	[tilespmem:$0x1C940] =	vst v63  }
0xbc: {  	_ =	swait.ge [sflag:s25], $0x80  }
0xbd: {  	s0 =	simm.s32 $0x4E;
	[sflag:s25] =	ssyncset.done $0x0  }
.LBB2_8:
0xbe: {  	p0 =	sne.s32 s0, $0x1;
	s0 =	sadd.s32 $0xFFFFFFFF, s0;
	[sflag:s25] =	ssyncadd.s32 $0xFFFFFF80  }
.Ltmp3:
0xbf: {  	(pc) =	sbr.rel @p0 .LBB2_8-.Ltmp3, $3  }
0xc0: {  	_ =	sdelay $0x1  }
0xc1: {  	_ =	swait.ge [sflag:s25], $0x80  }
0xc2: {  	[sflag:s25] =	ssyncset.done $0x0  }
0xc3: {  	[sflag:s25] =	ssyncadd.s32 $0xFFFFFF80  }
0xc4: {  	[bflag:$0x0] =	sbarrier.arrive $0xFFFF  }
0xc5: {  	[tilespmem:s21], [sflag:$0x5] =	stream.linear.gather [spmem:s8], $0x1F40, $0x38;
	[tilespmem:$0x1C940] =	vst v63  }
0xc6: {  	_ =	swait.ge [sflag:s26], $0x1F40  }
0xc7: {  	[sflag:s26] =	ssyncset.done $0x0  }
0xc8: {  	[sflag:s26] =	ssyncadd.s32 $0xFFFFE0C0  }
0xc9: {  	[hbm4b:s13+s4] =	stream.linear.scatter [tilespmem:s21], [sflag:$0x4], $0x1F40, $0x38;
	[tilespmem:$0x1C940] =	vst v63  }
0xca: {  	_ = 	snop  }
0xcb: {  	[tilespmem:s28], [sflag:$0x5] =	stream.linear.gather [spmem:s9], $0x1F40, $0x38;
	[tilespmem:$0x1C940] =	vst v63  }
0xcc: {  	_ =	swait.ge [sflag:s26], $0x1F40  }
0xcd: {  	[sflag:s26] =	ssyncset.done $0x0  }
0xce: {  	[sflag:s26] =	ssyncadd.s32 $0xFFFFE0C0  }
0xcf: {  	[hbm4b:s14+s4] =	stream.linear.scatter [tilespmem:s28], [sflag:$0x4], $0x1F40, $0x38;
	[tilespmem:$0x1C940] =	vst v63  }
0xd0: {  	_ =	swait.ge [sflag:s29], $0x1F40  }
0xd1: {  	[sflag:s29] =	ssyncset.done $0x0  }
0xd2: {  	[sflag:s29] =	ssyncadd.s32 $0xFFFFE0C0  }
0xd3: {  	[tilespmem:s21], [sflag:$0x5] =	stream.linear.gather [spmem:s10], $0x1F40, $0x38;
	[tilespmem:$0x1C940] =	vst v63  }
0xd4: {  	_ =	swait.ge [sflag:s26], $0x1F40  }
0xd5: {  	[sflag:s26] =	ssyncset.done $0x0  }
0xd6: {  	[sflag:s26] =	ssyncadd.s32 $0xFFFFE0C0  }
0xd7: {  	[hbm4b:s15+s4] =	stream.linear.scatter [tilespmem:s21], [sflag:$0x4], $0x1F40, $0x38;
	[tilespmem:$0x1C940] =	vst v63  }
0xd8: {  	_ =	swait.ge [sflag:s29], $0x1F40  }
0xd9: {  	[sflag:s29] =	ssyncset.done $0x0  }
0xda: {  	[sflag:s29] =	ssyncadd.s32 $0xFFFFE0C0  }
0xdb: {  	[tilespmem:s28], [sflag:$0x5] =	stream.linear.gather [spmem:s11], $0x1F40, $0x38;
	[tilespmem:$0x1C940] =	vst v63  }
0xdc: {  	_ =	swait.ge [sflag:s26], $0x1F40  }
0xdd: {  	[sflag:s26] =	ssyncset.done $0x0  }
0xde: {  	[sflag:s26] =	ssyncadd.s32 $0xFFFFE0C0  }
0xdf: {  	[hbm4b:s16+s4] =	stream.linear.scatter [tilespmem:s28], [sflag:$0x4], $0x1F40, $0x38;
	[tilespmem:$0x1C940] =	vst v63  }
0xe0: {  	_ =	swait.ge [sflag:s29], $0x1F40  }
0xe1: {  	[sflag:s29] =	ssyncset.done $0x0  }
0xe2: {  	[sflag:s29] =	ssyncadd.s32 $0xFFFFE0C0  }
0xe3: {  	[tilespmem:s21], [sflag:$0x5] =	stream.linear.gather [spmem:s12], $0x1F40, $0x38;
	[tilespmem:$0x1C940] =	vst v63  }
0xe4: {  	_ =	swait.ge [sflag:s26], $0x1F40  }
0xe5: {  	[sflag:s26] =	ssyncset.done $0x0  }
0xe6: {  	s30 =	sadd.s32 $0x1, s30;
	[sflag:s26] =	ssyncadd.s32 $0xFFFFE0C0  }
0xe7: {  	[hbm4b:s17+s4] =	stream.linear.scatter [tilespmem:s21], [sflag:$0x4], $0x1F40, $0x38;
	[tilespmem:$0x1C940] =	vst v63  }
0xe8: {  	p0 =	sne.s32 s30, s18;
	_ =	swait.ge [sflag:s29], $0x1F40  }
.Ltmp4:
0xe9: {  	[sflag:s29] =	ssyncset.done $0x0;
	(pc) =	sbr.rel @p0 .LBB2_1-.Ltmp4, $4  }
0xea: {  	[sflag:s29] =	ssyncadd.s32 $0xFFFFE0C0  }
0xeb: {  	_ =	swait.ge [sflag:s29], $0x1F40  }
0xec: {  	[sflag:s29] =	ssyncset.done $0x0  }
0xed: {  	[sflag:s29] =	ssyncadd.s32 $0xFFFFE0C0  }
0xee: {  	_ =	sfence.sel $0x180000  }
0xef: {  	[bflag:$0x0] =	sbarrier.arrive $0xFFFF  }
0xf0: {  	_ =	strace $0x90000047  }
0xf1: {  	s0 =	stileid.u32;
	[bflag:$0x2] =	sbarrier.arrive $0xFFFF  }
0xf2: {  	p0 =	sne.s32 s0, $0x0;
	s0 =	rddreg [dreg:$0x5]  }
0xf3: {  	s0 =	sadd.s32 @!p0 $0x100000, s0  }
0xf4: {  	[sflag:s0] =	ssyncadd.tile.s32 @!p0 $0x1;
	_ =	shalt  }
.Lfunc_end2:
_tile_overlayer_lowered:
.L_overlay_start_2:
0xf5: {  	(tag) =	ssettag $0x2  }
0xf6: {  	s0 =	rddreg [dreg:$0x0];
	s2 =	stileid.u32  }
0xf7: {  	s1 =	rddreg [dreg:$0x1];
	p0 =	sne.s32 s2, $0x0  }
0xf8: {  	s3 =	rddreg [dreg:$0x2];
	[bflag:$0x3] =	sbarrier.arrive $0xFFFF;
	s2 =	simm.s32 @!p0 $0x1C05  }
0xf9: {  	[timem:s3], [sflag:s2] =	dma.local @!p0 [hbm:s0], s1  }
0xfa: {  	s0 =	simm.s32 @!p0 $0x5  }
0xfb: {  	_ =	swait.ge @!p0 [sflag:s0], s1  }
0xfc: {  	s1 =	ssub.s32 @!p0 $0x0, s1;
	[sflag:s0] =	ssyncset.done @!p0 $0x0  }
0xfd: {  	[sflag:s0] =	ssyncadd.s32 @!p0 s1  }
0xfe: {  	[bflag:$0x3] =	sbarrier.arrive $0xFFFF  }
0xff: {  	_ =	shalt  }

</sc_bundles>
